<compile_context>
chip_gen: v7x
topology: tpu7x:2x2x1
jax: 0.10.2.dev20260603
libtpu: 0.0.44.dev20260713+nightly
codegen_flags: <defaults>
</compile_context>

<pallas_src>
import functools

import jax
import jax.numpy as jnp
from jax import lax
from jax.experimental import pallas as pl
from jax.experimental.pallas import tpu as pltpu
from jax.experimental.pallas import tpu_sc as plsc

_S = 10000
_D = 128
_N = 320000
_NC = 2
_NS = 16
_ROWS_PER_TILE = _N // (_NC * _NS)
_R = 80
_CHUNKS = _ROWS_PER_TILE // _R
_NBUF = 4
_QUADS = _CHUNKS // _NBUF
_WB = 624
_TAIL = _S - _NS * _WB
_ZROWS = 48
_ZSTEPS = _WB // _ZROWS


def _sc_partial_sums(node_feat, segment):
    mesh = plsc.VectorSubcoreMesh(core_axis_name="c", subcore_axis_name="s")

    @functools.partial(
        pl.kernel,
        out_type=jax.ShapeDtypeStruct((_NC, _S, _D), jnp.float32),
        mesh=mesh,
        scratch_types=[
            pltpu.VMEM_SHARED((_S, _D), jnp.float32),
            pltpu.VMEM((_R, _D), jnp.float32),
            pltpu.VMEM((_R, _D), jnp.float32),
            pltpu.VMEM((_R, _D), jnp.float32),
            pltpu.VMEM((_R, _D), jnp.float32),
            pltpu.VMEM((_R,), jnp.int32),
            pltpu.VMEM((_R,), jnp.int32),
            pltpu.VMEM((_R,), jnp.int32),
            pltpu.VMEM((_R,), jnp.int32),
            pltpu.VMEM((_ZROWS, _D), jnp.float32),
            pltpu.SemaphoreType.DMA,
            pltpu.SemaphoreType.DMA,
            pltpu.SemaphoreType.DMA,
            pltpu.SemaphoreType.DMA,
            pltpu.SemaphoreType.DMA,
            pltpu.SemaphoreType.DMA,
            pltpu.SemaphoreType.DMA,
            pltpu.SemaphoreType.DMA,
        ],
    )
    def k(feat_hbm, seg_hbm, out_hbm, acc, rb0, rb1, rb2, rb3, ib0, ib1,
          ib2, ib3, stage, si0, si1, si2, si3, ss0, ss1, ss2, ss3):
        c = lax.axis_index("c")
        s = lax.axis_index("s")
        rowbufs = (rb0, rb1, rb2, rb3)
        idxbufs = (ib0, ib1, ib2, ib3)
        insems = (si0, si1, si2, si3)
        scsems = (ss0, ss1, ss2, ss3)
        base0 = c * (_NS * _ROWS_PER_TILE) + s * _ROWS_PER_TILE

        def start_in(j, b):
            base = base0 + j * _R
            pltpu.async_copy(feat_hbm.at[pl.ds(base, _R)], rowbufs[b],
                             insems[b])
            pltpu.async_copy(seg_hbm.at[pl.ds(base, _R)], idxbufs[b],
                             insems[b])

        def wait_in(j, b):
            base = base0 + j * _R
            pltpu.make_async_copy(feat_hbm.at[pl.ds(base, _R)], rowbufs[b],
                                  insems[b]).wait()
            pltpu.make_async_copy(seg_hbm.at[pl.ds(base, _R)], idxbufs[b],
                                  insems[b]).wait()

        def start_scatter(b):
            pass

        def wait_scatter(b):
            pass

        start_in(0, 0)
        start_in(1, 1)

        zero16 = jnp.zeros((16,), jnp.float32)

        def zrow(r, carry):
            for q in range(_D // 16):
                stage[r, pl.ds(q * 16, 16)] = zero16
            return carry

        lax.fori_loop(0, _ZROWS, zrow, 0)
        seg0 = s * _WB
        for t in range(_ZSTEPS):
            pltpu.sync_copy(stage, acc.at[pl.ds(seg0 + t * _ZROWS, _ZROWS)])

        @pl.when(s == _NS - 1)
        def _zero_tail():
            pltpu.sync_copy(stage.at[pl.ds(0, _TAIL)],
                            acc.at[pl.ds(_NS * _WB, _TAIL)])

        plsc.subcore_barrier()

        def quad(g, carry):
            for b in range(_NBUF):
                j = _NBUF * g + b
                wait_in(j, b)
                start_scatter(b)
                b2 = (b + 2) % _NBUF
                if b < 2:
                    @pl.when(g > 0)
                    def _drain():
                        wait_scatter(b2)
                else:
                    wait_scatter(b2)
                if b == 3:
                    @pl.when(g < _QUADS - 1)
                    def _prefetch():
                        start_in(j + 2, b2)
                else:
                    start_in(j + 2, b2)
            return carry

        lax.fori_loop(0, _QUADS, quad, 0)
        wait_in(_CHUNKS - 1, 0)
        start_scatter(0)
        wait_scatter(2)
        wait_scatter(3)
        wait_scatter(0)
        plsc.subcore_barrier()

        for t in range(_ZSTEPS):
            r0 = seg0 + t * _ZROWS
            pltpu.sync_copy(acc.at[pl.ds(r0, _ZROWS)], stage)
            pltpu.sync_copy(stage, out_hbm.at[c, pl.ds(r0, _ZROWS)])

        @pl.when(s == _NS - 1)
        def _write_tail():
            pltpu.sync_copy(acc.at[pl.ds(_NS * _WB, _TAIL)],
                            stage.at[pl.ds(0, _TAIL)])
            pltpu.sync_copy(stage.at[pl.ds(0, _TAIL)],
                            out_hbm.at[c, pl.ds(_NS * _WB, _TAIL)])

    return k(node_feat, segment)


def _combine(partials):
    def body(p_ref, o_ref):
        o_ref[...] = p_ref[0] + p_ref[1]

    return pl.pallas_call(
        body,
        grid=(10,),
        in_specs=[pl.BlockSpec((_NC, _S // 10, _D), lambda i: (0, i, 0))],
        out_specs=pl.BlockSpec((_S // 10, _D), lambda i: (i, 0)),
        out_shape=jax.ShapeDtypeStruct((_S, _D), jnp.float32),
    )(partials)


def kernel(node_feat, segment):
    seg32 = segment.astype(jnp.int32)
    partials = _sc_partial_sums(node_feat, seg32)
    return _combine(partials)

# --- scband reference (transcript-rebuilt; emitter-appended) ---
"""Pipeline reference for scband-graph-pooling-515396076336 (READ-ONLY COPY).

The authoritative reference and input builder live on the scoring server;
editing this copy changes nothing except your own understanding.
"""

import jax, jax.numpy as jnp
import numpy as np

NUM_SEGMENTS = 10000

def setup_inputs(seed: int = 0) -> dict:
    key = jax.random.key(seed)
    k1, k2 = jax.random.split(key)
    node_feat = jax.random.normal(k1, (320000, 128), dtype=jnp.float32)
    segment = jnp.sort(jax.random.randint(k2, (320000,), 0, NUM_SEGMENTS, dtype=jnp.int64))
    # guarantee the max segment id is present so output shape is deterministic
    segment = segment.at[-1].set(NUM_SEGMENTS - 1)
    return {"node_feat": node_feat, "segment": segment}

def reference(node_feat, segment):
    # GraphPooling.forward with average=False
    num_seg = NUM_SEGMENTS
    bin_count = jnp.bincount(segment, length=num_seg)
    bin_count = jnp.where(bin_count != 0, bin_count, jnp.ones_like(bin_count))
    output = jnp.zeros((num_seg, node_feat.shape[1]), dtype=node_feat.dtype)
    output = output.at[segment].add(node_feat)
    # average is False -> no division by bin_count
    return output

if __name__ == "__main__":
    import jax
    _d = setup_inputs()
    print(jax.jit(kernel)(*tuple(_d.values())))

</pallas_src>

<mosaic_0001>
#map = affine_map<(d0, d1) -> (0, 0)>
#map1 = affine_map<(d0, d1) -> (0)>
#map2 = affine_map<(d0, d1) -> (0, 0, 0)>
module attributes {stable_mosaic.version = 14 : i64} {
  func.func @k(%arg0: i32, %arg1: i32, %arg2: memref<320000x128xf32, #tpu.memory_space<hbm>>, %arg3: memref<320000xi32, #tpu.memory_space<hbm>>, %arg4: memref<2x10000x128xf32, #tpu.memory_space<hbm>>, %arg5: memref<10000x128xf32, #tpu.memory_space<vmem_shared>>, %arg6: memref<80x128xf32, #tpu.memory_space<vmem>>, %arg7: memref<80x128xf32, #tpu.memory_space<vmem>>, %arg8: memref<80x128xf32, #tpu.memory_space<vmem>>, %arg9: memref<80x128xf32, #tpu.memory_space<vmem>>, %arg10: memref<80xi32, #tpu.memory_space<vmem>>, %arg11: memref<80xi32, #tpu.memory_space<vmem>>, %arg12: memref<80xi32, #tpu.memory_space<vmem>>, %arg13: memref<80xi32, #tpu.memory_space<vmem>>, %arg14: memref<48x128xf32, #tpu.memory_space<vmem>>, %arg15: memref<!tpu.dma_semaphore, #tpu.memory_space<semaphore_mem>>, %arg16: memref<!tpu.dma_semaphore, #tpu.memory_space<semaphore_mem>>, %arg17: memref<!tpu.dma_semaphore, #tpu.memory_space<semaphore_mem>>, %arg18: memref<!tpu.dma_semaphore, #tpu.memory_space<semaphore_mem>>, %arg19: memref<!tpu.dma_semaphore, #tpu.memory_space<semaphore_mem>>, %arg20: memref<!tpu.dma_semaphore, #tpu.memory_space<semaphore_mem>>, %arg21: memref<!tpu.dma_semaphore, #tpu.memory_space<semaphore_mem>>, %arg22: memref<!tpu.dma_semaphore, #tpu.memory_space<semaphore_mem>>) attributes {dimension_semantics = [#tpu.dimension_semantics<core_parallel>, #tpu.dimension_semantics<subcore_parallel>], iteration_bounds = array<i64: 2, 16>, scalar_prefetch = 0 : i64, scratch_operands = 18 : i64, tpu.core_type = #tpu.core_type<sc_vector_subcore>, window_params = [{transform_indices = #map}, {transform_indices = #map1}, {transform_indices = #map2}]} {
    %mul3A = arith.constant 160000 : i32
    %mul3A_0 = arith.muli %arg0, %mul3A : i32
    %mul3A_1 = arith.constant 10000 : i32
    %mul3A_2 = arith.muli %arg1, %mul3A_1 : i32
    %add3A = arith.addi %mul3A_0, %mul3A_2 : i32
    %add3A_3 = arith.constant 0 : i32
    %add3A_4 = arith.addi %add3A, %add3A_3 : i32
    %dma_start3A = arith.constant 0 : i32
    %dma_start3A_5 = tpu.memref_slice %arg2[%add3A_4, %dma_start3A] : memref<320000x128xf32, #tpu.memory_space<hbm>> -> memref<80x128xf32, #tpu.memory_space<hbm>>
    %dma_start3A_6 = arith.constant 0 : i32
    %dma_start3A_7 = tpu.memref_slice %arg2[%add3A_4, %dma_start3A_6] : memref<320000x128xf32, #tpu.memory_space<hbm>> -> memref<80x128xf32, #tpu.memory_space<hbm>>
    tpu.enqueue_dma source(%dma_start3A_7 : memref<80x128xf32, #tpu.memory_space<hbm>>) target(%arg6 : memref<80x128xf32, #tpu.memory_space<vmem>>) target_semaphore(%arg15 : memref<!tpu.dma_semaphore, #tpu.memory_space<semaphore_mem>>)
    %dma_start3A_8 = tpu.memref_slice %arg3[%add3A_4] : memref<320000xi32, #tpu.memory_space<hbm>> -> memref<80xi32, #tpu.memory_space<hbm>>
    %dma_start3A_9 = tpu.memref_slice %arg3[%add3A_4] : memref<320000xi32, #tpu.memory_space<hbm>> -> memref<80xi32, #tpu.memory_space<hbm>>
    tpu.enqueue_dma source(%dma_start3A_9 : memref<80xi32, #tpu.memory_space<hbm>>) target(%arg10 : memref<80xi32, #tpu.memory_space<vmem>>) target_semaphore(%arg15 : memref<!tpu.dma_semaphore, #tpu.memory_space<semaphore_mem>>)
    %add3A_10 = arith.constant 80 : i32
    %add3A_11 = arith.addi %add3A, %add3A_10 : i32
    %dma_start3A_12 = arith.constant 0 : i32
    %dma_start3A_13 = tpu.memref_slice %arg2[%add3A_11, %dma_start3A_12] : memref<320000x128xf32, #tpu.memory_space<hbm>> -> memref<80x128xf32, #tpu.memory_space<hbm>>
    %dma_start3A_14 = arith.constant 0 : i32
    %dma_start3A_15 = tpu.memref_slice %arg2[%add3A_11, %dma_start3A_14] : memref<320000x128xf32, #tpu.memory_space<hbm>> -> memref<80x128xf32, #tpu.memory_space<hbm>>
    tpu.enqueue_dma source(%dma_start3A_15 : memref<80x128xf32, #tpu.memory_space<hbm>>) target(%arg7 : memref<80x128xf32, #tpu.memory_space<vmem>>) target_semaphore(%arg16 : memref<!tpu.dma_semaphore, #tpu.memory_space<semaphore_mem>>)
    %dma_start3A_16 = tpu.memref_slice %arg3[%add3A_11] : memref<320000xi32, #tpu.memory_space<hbm>> -> memref<80xi32, #tpu.memory_space<hbm>>
    %dma_start3A_17 = tpu.memref_slice %arg3[%add3A_11] : memref<320000xi32, #tpu.memory_space<hbm>> -> memref<80xi32, #tpu.memory_space<hbm>>
    tpu.enqueue_dma source(%dma_start3A_17 : memref<80xi32, #tpu.memory_space<hbm>>) target(%arg11 : memref<80xi32, #tpu.memory_space<vmem>>) target_semaphore(%arg16 : memref<!tpu.dma_semaphore, #tpu.memory_space<semaphore_mem>>)
    %broadcast_in_dim3A = arith.constant 0.000000e+00 : f32
    %broadcast_in_dim3A_18 = vector.broadcast %broadcast_in_dim3A : f32 to vector<16xf32>
    %scan3A = arith.constant 0 : i32
    %scan3A_19 = arith.constant 0 : i32
    %scan3A_20 = arith.constant 48 : i32
    %scan3A_21 = arith.addi %scan3A_19, %scan3A_20 : i32
    %scan3A_22 = arith.constant 1 : i32
    scf.for %scan3A_99 = %scan3A_19 to %scan3A_21 step %scan3A_22  : i32 {
      %swap3A = arith.index_cast %scan3A_99 : i32 to index
      %swap3A_100 = arith.constant 0 : index
      %swap3A_101 = tpu.vector_load %arg14[%swap3A, %swap3A_100] {strides = array<i32>} : memref<48x128xf32, #tpu.memory_space<vmem>>, vector<1x16xf32>,
      %swap3A_102 = vector.shape_cast %swap3A_101 : vector<1x16xf32> to vector<16xf32>
      %swap3A_103 = vector.shape_cast %broadcast_in_dim3A_18 : vector<16xf32> to vector<1x16xf32>
      tpu.vector_store %arg14[%swap3A, %swap3A_100], %swap3A_103 {strides = array<i32>} : memref<48x128xf32, #tpu.memory_space<vmem>>, vector<1x16xf32>,
      %swap3A_104 = arith.index_cast %scan3A_99 : i32 to index
      %swap3A_105 = arith.constant 16 : index
      %swap3A_106 = tpu.vector_load %arg14[%swap3A_104, %swap3A_105] {strides = array<i32>} : memref<48x128xf32, #tpu.memory_space<vmem>>, vector<1x16xf32>,
      %swap3A_107 = vector.shape_cast %swap3A_106 : vector<1x16xf32> to vector<16xf32>
      %swap3A_108 = vector.shape_cast %broadcast_in_dim3A_18 : vector<16xf32> to vector<1x16xf32>
      tpu.vector_store %arg14[%swap3A_104, %swap3A_105], %swap3A_108 {strides = array<i32>} : memref<48x128xf32, #tpu.memory_space<vmem>>, vector<1x16xf32>,
      %swap3A_109 = arith.index_cast %scan3A_99 : i32 to index
      %swap3A_110 = arith.constant 32 : index
      %swap3A_111 = tpu.vector_load %arg14[%swap3A_109, %swap3A_110] {strides = array<i32>} : memref<48x128xf32, #tpu.memory_space<vmem>>, vector<1x16xf32>,
      %swap3A_112 = vector.shape_cast %swap3A_111 : vector<1x16xf32> to vector<16xf32>
      %swap3A_113 = vector.shape_cast %broadcast_in_dim3A_18 : vector<16xf32> to vector<1x16xf32>
      tpu.vector_store %arg14[%swap3A_109, %swap3A_110], %swap3A_113 {strides = array<i32>} : memref<48x128xf32, #tpu.memory_space<vmem>>, vector<1x16xf32>,
      %swap3A_114 = arith.index_cast %scan3A_99 : i32 to index
      %swap3A_115 = arith.constant 48 : index
      %swap3A_116 = tpu.vector_load %arg14[%swap3A_114, %swap3A_115] {strides = array<i32>} : memref<48x128xf32, #tpu.memory_space<vmem>>, vector<1x16xf32>,
      %swap3A_117 = vector.shape_cast %swap3A_116 : vector<1x16xf32> to vector<16xf32>
      %swap3A_118 = vector.shape_cast %broadcast_in_dim3A_18 : vector<16xf32> to vector<1x16xf32>
      tpu.vector_store %arg14[%swap3A_114, %swap3A_115], %swap3A_118 {strides = array<i32>} : memref<48x128xf32, #tpu.memory_space<vmem>>, vector<1x16xf32>,
      %swap3A_119 = arith.index_cast %scan3A_99 : i32 to index
      %swap3A_120 = arith.constant 64 : index
      %swap3A_121 = tpu.vector_load %arg14[%swap3A_119, %swap3A_120] {strides = array<i32>} : memref<48x128xf32, #tpu.memory_space<vmem>>, vector<1x16xf32>,
      %swap3A_122 = vector.shape_cast %swap3A_121 : vector<1x16xf32> to vector<16xf32>
      %swap3A_123 = vector.shape_cast %broadcast_in_dim3A_18 : vector<16xf32> to vector<1x16xf32>
      tpu.vector_store %arg14[%swap3A_119, %swap3A_120], %swap3A_123 {strides = array<i32>} : memref<48x128xf32, #tpu.memory_space<vmem>>, vector<1x16xf32>,
      %swap3A_124 = arith.index_cast %scan3A_99 : i32 to index
      %swap3A_125 = arith.constant 80 : index
      %swap3A_126 = tpu.vector_load %arg14[%swap3A_124, %swap3A_125] {strides = array<i32>} : memref<48x128xf32, #tpu.memory_space<vmem>>, vector<1x16xf32>,
      %swap3A_127 = vector.shape_cast %swap3A_126 : vector<1x16xf32> to vector<16xf32>
      %swap3A_128 = vector.shape_cast %broadcast_in_dim3A_18 : vector<16xf32> to vector<1x16xf32>
      tpu.vector_store %arg14[%swap3A_124, %swap3A_125], %swap3A_128 {strides = array<i32>} : memref<48x128xf32, #tpu.memory_space<vmem>>, vector<1x16xf32>,
      %swap3A_129 = arith.index_cast %scan3A_99 : i32 to index
      %swap3A_130 = arith.constant 96 : index
      %swap3A_131 = tpu.vector_load %arg14[%swap3A_129, %swap3A_130] {strides = array<i32>} : memref<48x128xf32, #tpu.memory_space<vmem>>, vector<1x16xf32>,
      %swap3A_132 = vector.shape_cast %swap3A_131 : vector<1x16xf32> to vector<16xf32>
      %swap3A_133 = vector.shape_cast %broadcast_in_dim3A_18 : vector<16xf32> to vector<1x16xf32>
      tpu.vector_store %arg14[%swap3A_129, %swap3A_130], %swap3A_133 {strides = array<i32>} : memref<48x128xf32, #tpu.memory_space<vmem>>, vector<1x16xf32>,
      %swap3A_134 = arith.index_cast %scan3A_99 : i32 to index
      %swap3A_135 = arith.constant 112 : index
      %swap3A_136 = tpu.vector_load %arg14[%swap3A_134, %swap3A_135] {strides = array<i32>} : memref<48x128xf32, #tpu.memory_space<vmem>>, vector<1x16xf32>,
      %swap3A_137 = vector.shape_cast %swap3A_136 : vector<1x16xf32> to vector<16xf32>
      %swap3A_138 = vector.shape_cast %broadcast_in_dim3A_18 : vector<16xf32> to vector<1x16xf32>
      tpu.vector_store %arg14[%swap3A_134, %swap3A_135], %swap3A_138 {strides = array<i32>} : memref<48x128xf32, #tpu.memory_space<vmem>>, vector<1x16xf32>,
    }
    %scan3A_23 = arith.constant 48 : i32
    %mul3A_24 = arith.constant 624 : i32
    %mul3A_25 = arith.muli %arg1, %mul3A_24 : i32
    %add3A_26 = arith.constant 0 : i32
    %add3A_27 = arith.addi %mul3A_25, %add3A_26 : i32
    "tpu.region"() ({
      %run_scoped3A = tpu.sem_alloc : memref<!tpu.dma_semaphore, #tpu.memory_space<semaphore_mem>>
      %dma_start3A_99 = arith.constant 0 : i32
      %dma_start3A_100 = tpu.memref_slice %arg5[%add3A_27, %dma_start3A_99] : memref<10000x128xf32, #tpu.memory_space<vmem_shared>> -> memref<48x128xf32, #tpu.memory_space<vmem_shared>>
      %dma_start3A_101 = arith.constant 0 : i32
      %dma_start3A_102 = tpu.memref_slice %arg5[%add3A_27, %dma_start3A_101] : memref<10000x128xf32, #tpu.memory_space<vmem_shared>> -> memref<48x128xf32, #tpu.memory_space<vmem_shared>>
      tpu.enqueue_dma source(%arg14 : memref<48x128xf32, #tpu.memory_space<vmem>>) target(%dma_start3A_102 : memref<48x128xf32, #tpu.memory_space<vmem_shared>>) target_semaphore(%run_scoped3A : memref<!tpu.dma_semaphore, #tpu.memory_space<semaphore_mem>>)
      %dma_wait3A_103 = arith.constant 0 : i32
      %dma_wait3A_104 = tpu.memref_slice %arg5[%add3A_27, %dma_wait3A_103] : memref<10000x128xf32, #tpu.memory_space<vmem_shared>> -> memref<48x128xf32, #tpu.memory_space<vmem_shared>>
      %dma_wait3A_105 = arith.constant 0 : i32
      %dma_wait3A_106 = tpu.memref_slice %arg5[%add3A_27, %dma_wait3A_105] : memref<10000x128xf32, #tpu.memory_space<vmem_shared>> -> memref<48x128xf32, #tpu.memory_space<vmem_shared>>
      tpu.wait_dma2 semaphore(%run_scoped3A : memref<!tpu.dma_semaphore, #tpu.memory_space<semaphore_mem>>) src(%arg14 : memref<48x128xf32, #tpu.memory_space<vmem>>) dst(%dma_wait3A_106 : memref<48x128xf32, #tpu.memory_space<vmem_shared>>)
      tpu.yield
    }) : () -> ()
    %add3A_28 = arith.constant 48 : i32
    %add3A_29 = arith.addi %mul3A_25, %add3A_28 : i32
    "tpu.region"() ({
      %run_scoped3A = tpu.sem_alloc : memref<!tpu.dma_semaphore, #tpu.memory_space<semaphore_mem>>
      %dma_start3A_99 = arith.constant 0 : i32
      %dma_start3A_100 = tpu.memref_slice %arg5[%add3A_29, %dma_start3A_99] : memref<10000x128xf32, #tpu.memory_space<vmem_shared>> -> memref<48x128xf32, #tpu.memory_space<vmem_shared>>
      %dma_start3A_101 = arith.constant 0 : i32
      %dma_start3A_102 = tpu.memref_slice %arg5[%add3A_29, %dma_start3A_101] : memref<10000x128xf32, #tpu.memory_space<vmem_shared>> -> memref<48x128xf32, #tpu.memory_space<vmem_shared>>
      tpu.enqueue_dma source(%arg14 : memref<48x128xf32, #tpu.memory_space<vmem>>) target(%dma_start3A_102 : memref<48x128xf32, #tpu.memory_space<vmem_shared>>) target_semaphore(%run_scoped3A : memref<!tpu.dma_semaphore, #tpu.memory_space<semaphore_mem>>)
      %dma_wait3A_103 = arith.constant 0 : i32
      %dma_wait3A_104 = tpu.memref_slice %arg5[%add3A_29, %dma_wait3A_103] : memref<10000x128xf32, #tpu.memory_space<vmem_shared>> -> memref<48x128xf32, #tpu.memory_space<vmem_shared>>
      %dma_wait3A_105 = arith.constant 0 : i32
      %dma_wait3A_106 = tpu.memref_slice %arg5[%add3A_29, %dma_wait3A_105] : memref<10000x128xf32, #tpu.memory_space<vmem_shared>> -> memref<48x128xf32, #tpu.memory_space<vmem_shared>>
      tpu.wait_dma2 semaphore(%run_scoped3A : memref<!tpu.dma_semaphore, #tpu.memory_space<semaphore_mem>>) src(%arg14 : memref<48x128xf32, #tpu.memory_space<vmem>>) dst(%dma_wait3A_106 : memref<48x128xf32, #tpu.memory_space<vmem_shared>>)
      tpu.yield
    }) : () -> ()
    %add3A_30 = arith.constant 96 : i32
    %add3A_31 = arith.addi %mul3A_25, %add3A_30 : i32
    "tpu.region"() ({
      %run_scoped3A = tpu.sem_alloc : memref<!tpu.dma_semaphore, #tpu.memory_space<semaphore_mem>>
      %dma_start3A_99 = arith.constant 0 : i32
      %dma_start3A_100 = tpu.memref_slice %arg5[%add3A_31, %dma_start3A_99] : memref<10000x128xf32, #tpu.memory_space<vmem_shared>> -> memref<48x128xf32, #tpu.memory_space<vmem_shared>>
      %dma_start3A_101 = arith.constant 0 : i32
      %dma_start3A_102 = tpu.memref_slice %arg5[%add3A_31, %dma_start3A_101] : memref<10000x128xf32, #tpu.memory_space<vmem_shared>> -> memref<48x128xf32, #tpu.memory_space<vmem_shared>>
      tpu.enqueue_dma source(%arg14 : memref<48x128xf32, #tpu.memory_space<vmem>>) target(%dma_start3A_102 : memref<48x128xf32, #tpu.memory_space<vmem_shared>>) target_semaphore(%run_scoped3A : memref<!tpu.dma_semaphore, #tpu.memory_space<semaphore_mem>>)
      %dma_wait3A_103 = arith.constant 0 : i32
      %dma_wait3A_104 = tpu.memref_slice %arg5[%add3A_31, %dma_wait3A_103] : memref<10000x128xf32, #tpu.memory_space<vmem_shared>> -> memref<48x128xf32, #tpu.memory_space<vmem_shared>>
      %dma_wait3A_105 = arith.constant 0 : i32
      %dma_wait3A_106 = tpu.memref_slice %arg5[%add3A_31, %dma_wait3A_105] : memref<10000x128xf32, #tpu.memory_space<vmem_shared>> -> memref<48x128xf32, #tpu.memory_space<vmem_shared>>
      tpu.wait_dma2 semaphore(%run_scoped3A : memref<!tpu.dma_semaphore, #tpu.memory_space<semaphore_mem>>) src(%arg14 : memref<48x128xf32, #tpu.memory_space<vmem>>) dst(%dma_wait3A_106 : memref<48x128xf32, #tpu.memory_space<vmem_shared>>)
      tpu.yield
    }) : () -> ()
    %add3A_32 = arith.constant 144 : i32
    %add3A_33 = arith.addi %mul3A_25, %add3A_32 : i32
    "tpu.region"() ({
      %run_scoped3A = tpu.sem_alloc : memref<!tpu.dma_semaphore, #tpu.memory_space<semaphore_mem>>
      %dma_start3A_99 = arith.constant 0 : i32
      %dma_start3A_100 = tpu.memref_slice %arg5[%add3A_33, %dma_start3A_99] : memref<10000x128xf32, #tpu.memory_space<vmem_shared>> -> memref<48x128xf32, #tpu.memory_space<vmem_shared>>
      %dma_start3A_101 = arith.constant 0 : i32
      %dma_start3A_102 = tpu.memref_slice %arg5[%add3A_33, %dma_start3A_101] : memref<10000x128xf32, #tpu.memory_space<vmem_shared>> -> memref<48x128xf32, #tpu.memory_space<vmem_shared>>
      tpu.enqueue_dma source(%arg14 : memref<48x128xf32, #tpu.memory_space<vmem>>) target(%dma_start3A_102 : memref<48x128xf32, #tpu.memory_space<vmem_shared>>) target_semaphore(%run_scoped3A : memref<!tpu.dma_semaphore, #tpu.memory_space<semaphore_mem>>)
      %dma_wait3A_103 = arith.constant 0 : i32
      %dma_wait3A_104 = tpu.memref_slice %arg5[%add3A_33, %dma_wait3A_103] : memref<10000x128xf32, #tpu.memory_space<vmem_shared>> -> memref<48x128xf32, #tpu.memory_space<vmem_shared>>
      %dma_wait3A_105 = arith.constant 0 : i32
      %dma_wait3A_106 = tpu.memref_slice %arg5[%add3A_33, %dma_wait3A_105] : memref<10000x128xf32, #tpu.memory_space<vmem_shared>> -> memref<48x128xf32, #tpu.memory_space<vmem_shared>>
      tpu.wait_dma2 semaphore(%run_scoped3A : memref<!tpu.dma_semaphore, #tpu.memory_space<semaphore_mem>>) src(%arg14 : memref<48x128xf32, #tpu.memory_space<vmem>>) dst(%dma_wait3A_106 : memref<48x128xf32, #tpu.memory_space<vmem_shared>>)
      tpu.yield
    }) : () -> ()
    %add3A_34 = arith.constant 192 : i32
    %add3A_35 = arith.addi %mul3A_25, %add3A_34 : i32
    "tpu.region"() ({
      %run_scoped3A = tpu.sem_alloc : memref<!tpu.dma_semaphore, #tpu.memory_space<semaphore_mem>>
      %dma_start3A_99 = arith.constant 0 : i32
      %dma_start3A_100 = tpu.memref_slice %arg5[%add3A_35, %dma_start3A_99] : memref<10000x128xf32, #tpu.memory_space<vmem_shared>> -> memref<48x128xf32, #tpu.memory_space<vmem_shared>>
      %dma_start3A_101 = arith.constant 0 : i32
      %dma_start3A_102 = tpu.memref_slice %arg5[%add3A_35, %dma_start3A_101] : memref<10000x128xf32, #tpu.memory_space<vmem_shared>> -> memref<48x128xf32, #tpu.memory_space<vmem_shared>>
      tpu.enqueue_dma source(%arg14 : memref<48x128xf32, #tpu.memory_space<vmem>>) target(%dma_start3A_102 : memref<48x128xf32, #tpu.memory_space<vmem_shared>>) target_semaphore(%run_scoped3A : memref<!tpu.dma_semaphore, #tpu.memory_space<semaphore_mem>>)
      %dma_wait3A_103 = arith.constant 0 : i32
      %dma_wait3A_104 = tpu.memref_slice %arg5[%add3A_35, %dma_wait3A_103] : memref<10000x128xf32, #tpu.memory_space<vmem_shared>> -> memref<48x128xf32, #tpu.memory_space<vmem_shared>>
      %dma_wait3A_105 = arith.constant 0 : i32
      %dma_wait3A_106 = tpu.memref_slice %arg5[%add3A_35, %dma_wait3A_105] : memref<10000x128xf32, #tpu.memory_space<vmem_shared>> -> memref<48x128xf32, #tpu.memory_space<vmem_shared>>
      tpu.wait_dma2 semaphore(%run_scoped3A : memref<!tpu.dma_semaphore, #tpu.memory_space<semaphore_mem>>) src(%arg14 : memref<48x128xf32, #tpu.memory_space<vmem>>) dst(%dma_wait3A_106 : memref<48x128xf32, #tpu.memory_space<vmem_shared>>)
      tpu.yield
    }) : () -> ()
    %add3A_36 = arith.constant 240 : i32
    %add3A_37 = arith.addi %mul3A_25, %add3A_36 : i32
    "tpu.region"() ({
      %run_scoped3A = tpu.sem_alloc : memref<!tpu.dma_semaphore, #tpu.memory_space<semaphore_mem>>
      %dma_start3A_99 = arith.constant 0 : i32
      %dma_start3A_100 = tpu.memref_slice %arg5[%add3A_37, %dma_start3A_99] : memref<10000x128xf32, #tpu.memory_space<vmem_shared>> -> memref<48x128xf32, #tpu.memory_space<vmem_shared>>
      %dma_start3A_101 = arith.constant 0 : i32
      %dma_start3A_102 = tpu.memref_slice %arg5[%add3A_37, %dma_start3A_101] : memref<10000x128xf32, #tpu.memory_space<vmem_shared>> -> memref<48x128xf32, #tpu.memory_space<vmem_shared>>
      tpu.enqueue_dma source(%arg14 : memref<48x128xf32, #tpu.memory_space<vmem>>) target(%dma_start3A_102 : memref<48x128xf32, #tpu.memory_space<vmem_shared>>) target_semaphore(%run_scoped3A : memref<!tpu.dma_semaphore, #tpu.memory_space<semaphore_mem>>)
      %dma_wait3A_103 = arith.constant 0 : i32
      %dma_wait3A_104 = tpu.memref_slice %arg5[%add3A_37, %dma_wait3A_103] : memref<10000x128xf32, #tpu.memory_space<vmem_shared>> -> memref<48x128xf32, #tpu.memory_space<vmem_shared>>
      %dma_wait3A_105 = arith.constant 0 : i32
      %dma_wait3A_106 = tpu.memref_slice %arg5[%add3A_37, %dma_wait3A_105] : memref<10000x128xf32, #tpu.memory_space<vmem_shared>> -> memref<48x128xf32, #tpu.memory_space<vmem_shared>>
      tpu.wait_dma2 semaphore(%run_scoped3A : memref<!tpu.dma_semaphore, #tpu.memory_space<semaphore_mem>>) src(%arg14 : memref<48x128xf32, #tpu.memory_space<vmem>>) dst(%dma_wait3A_106 : memref<48x128xf32, #tpu.memory_space<vmem_shared>>)
      tpu.yield
    }) : () -> ()
    %add3A_38 = arith.constant 288 : i32
    %add3A_39 = arith.addi %mul3A_25, %add3A_38 : i32
    "tpu.region"() ({
      %run_scoped3A = tpu.sem_alloc : memref<!tpu.dma_semaphore, #tpu.memory_space<semaphore_mem>>
      %dma_start3A_99 = arith.constant 0 : i32
      %dma_start3A_100 = tpu.memref_slice %arg5[%add3A_39, %dma_start3A_99] : memref<10000x128xf32, #tpu.memory_space<vmem_shared>> -> memref<48x128xf32, #tpu.memory_space<vmem_shared>>
      %dma_start3A_101 = arith.constant 0 : i32
      %dma_start3A_102 = tpu.memref_slice %arg5[%add3A_39, %dma_start3A_101] : memref<10000x128xf32, #tpu.memory_space<vmem_shared>> -> memref<48x128xf32, #tpu.memory_space<vmem_shared>>
      tpu.enqueue_dma source(%arg14 : memref<48x128xf32, #tpu.memory_space<vmem>>) target(%dma_start3A_102 : memref<48x128xf32, #tpu.memory_space<vmem_shared>>) target_semaphore(%run_scoped3A : memref<!tpu.dma_semaphore, #tpu.memory_space<semaphore_mem>>)
      %dma_wait3A_103 = arith.constant 0 : i32
      %dma_wait3A_104 = tpu.memref_slice %arg5[%add3A_39, %dma_wait3A_103] : memref<10000x128xf32, #tpu.memory_space<vmem_shared>> -> memref<48x128xf32, #tpu.memory_space<vmem_shared>>
      %dma_wait3A_105 = arith.constant 0 : i32
      %dma_wait3A_106 = tpu.memref_slice %arg5[%add3A_39, %dma_wait3A_105] : memref<10000x128xf32, #tpu.memory_space<vmem_shared>> -> memref<48x128xf32, #tpu.memory_space<vmem_shared>>
      tpu.wait_dma2 semaphore(%run_scoped3A : memref<!tpu.dma_semaphore, #tpu.memory_space<semaphore_mem>>) src(%arg14 : memref<48x128xf32, #tpu.memory_space<vmem>>) dst(%dma_wait3A_106 : memref<48x128xf32, #tpu.memory_space<vmem_shared>>)
      tpu.yield
    }) : () -> ()
    %add3A_40 = arith.constant 336 : i32
    %add3A_41 = arith.addi %mul3A_25, %add3A_40 : i32
    "tpu.region"() ({
      %run_scoped3A = tpu.sem_alloc : memref<!tpu.dma_semaphore, #tpu.memory_space<semaphore_mem>>
      %dma_start3A_99 = arith.constant 0 : i32
      %dma_start3A_100 = tpu.memref_slice %arg5[%add3A_41, %dma_start3A_99] : memref<10000x128xf32, #tpu.memory_space<vmem_shared>> -> memref<48x128xf32, #tpu.memory_space<vmem_shared>>
      %dma_start3A_101 = arith.constant 0 : i32
      %dma_start3A_102 = tpu.memref_slice %arg5[%add3A_41, %dma_start3A_101] : memref<10000x128xf32, #tpu.memory_space<vmem_shared>> -> memref<48x128xf32, #tpu.memory_space<vmem_shared>>
      tpu.enqueue_dma source(%arg14 : memref<48x128xf32, #tpu.memory_space<vmem>>) target(%dma_start3A_102 : memref<48x128xf32, #tpu.memory_space<vmem_shared>>) target_semaphore(%run_scoped3A : memref<!tpu.dma_semaphore, #tpu.memory_space<semaphore_mem>>)
      %dma_wait3A_103 = arith.constant 0 : i32
      %dma_wait3A_104 = tpu.memref_slice %arg5[%add3A_41, %dma_wait3A_103] : memref<10000x128xf32, #tpu.memory_space<vmem_shared>> -> memref<48x128xf32, #tpu.memory_space<vmem_shared>>
      %dma_wait3A_105 = arith.constant 0 : i32
      %dma_wait3A_106 = tpu.memref_slice %arg5[%add3A_41, %dma_wait3A_105] : memref<10000x128xf32, #tpu.memory_space<vmem_shared>> -> memref<48x128xf32, #tpu.memory_space<vmem_shared>>
      tpu.wait_dma2 semaphore(%run_scoped3A : memref<!tpu.dma_semaphore, #tpu.memory_space<semaphore_mem>>) src(%arg14 : memref<48x128xf32, #tpu.memory_space<vmem>>) dst(%dma_wait3A_106 : memref<48x128xf32, #tpu.memory_space<vmem_shared>>)
      tpu.yield
    }) : () -> ()
    %add3A_42 = arith.constant 384 : i32
    %add3A_43 = arith.addi %mul3A_25, %add3A_42 : i32
    "tpu.region"() ({
      %run_scoped3A = tpu.sem_alloc : memref<!tpu.dma_semaphore, #tpu.memory_space<semaphore_mem>>
      %dma_start3A_99 = arith.constant 0 : i32
      %dma_start3A_100 = tpu.memref_slice %arg5[%add3A_43, %dma_start3A_99] : memref<10000x128xf32, #tpu.memory_space<vmem_shared>> -> memref<48x128xf32, #tpu.memory_space<vmem_shared>>
      %dma_start3A_101 = arith.constant 0 : i32
      %dma_start3A_102 = tpu.memref_slice %arg5[%add3A_43, %dma_start3A_101] : memref<10000x128xf32, #tpu.memory_space<vmem_shared>> -> memref<48x128xf32, #tpu.memory_space<vmem_shared>>
      tpu.enqueue_dma source(%arg14 : memref<48x128xf32, #tpu.memory_space<vmem>>) target(%dma_start3A_102 : memref<48x128xf32, #tpu.memory_space<vmem_shared>>) target_semaphore(%run_scoped3A : memref<!tpu.dma_semaphore, #tpu.memory_space<semaphore_mem>>)
      %dma_wait3A_103 = arith.constant 0 : i32
      %dma_wait3A_104 = tpu.memref_slice %arg5[%add3A_43, %dma_wait3A_103] : memref<10000x128xf32, #tpu.memory_space<vmem_shared>> -> memref<48x128xf32, #tpu.memory_space<vmem_shared>>
      %dma_wait3A_105 = arith.constant 0 : i32
      %dma_wait3A_106 = tpu.memref_slice %arg5[%add3A_43, %dma_wait3A_105] : memref<10000x128xf32, #tpu.memory_space<vmem_shared>> -> memref<48x128xf32, #tpu.memory_space<vmem_shared>>
      tpu.wait_dma2 semaphore(%run_scoped3A : memref<!tpu.dma_semaphore, #tpu.memory_space<semaphore_mem>>) src(%arg14 : memref<48x128xf32, #tpu.memory_space<vmem>>) dst(%dma_wait3A_106 : memref<48x128xf32, #tpu.memory_space<vmem_shared>>)
      tpu.yield
    }) : () -> ()
    %add3A_44 = arith.constant 432 : i32
    %add3A_45 = arith.addi %mul3A_25, %add3A_44 : i32
    "tpu.region"() ({
      %run_scoped3A = tpu.sem_alloc : memref<!tpu.dma_semaphore, #tpu.memory_space<semaphore_mem>>
      %dma_start3A_99 = arith.constant 0 : i32
      %dma_start3A_100 = tpu.memref_slice %arg5[%add3A_45, %dma_start3A_99] : memref<10000x128xf32, #tpu.memory_space<vmem_shared>> -> memref<48x128xf32, #tpu.memory_space<vmem_shared>>
      %dma_start3A_101 = arith.constant 0 : i32
      %dma_start3A_102 = tpu.memref_slice %arg5[%add3A_45, %dma_start3A_101] : memref<10000x128xf32, #tpu.memory_space<vmem_shared>> -> memref<48x128xf32, #tpu.memory_space<vmem_shared>>
      tpu.enqueue_dma source(%arg14 : memref<48x128xf32, #tpu.memory_space<vmem>>) target(%dma_start3A_102 : memref<48x128xf32, #tpu.memory_space<vmem_shared>>) target_semaphore(%run_scoped3A : memref<!tpu.dma_semaphore, #tpu.memory_space<semaphore_mem>>)
      %dma_wait3A_103 = arith.constant 0 : i32
      %dma_wait3A_104 = tpu.memref_slice %arg5[%add3A_45, %dma_wait3A_103] : memref<10000x128xf32, #tpu.memory_space<vmem_shared>> -> memref<48x128xf32, #tpu.memory_space<vmem_shared>>
      %dma_wait3A_105 = arith.constant 0 : i32
      %dma_wait3A_106 = tpu.memref_slice %arg5[%add3A_45, %dma_wait3A_105] : memref<10000x128xf32, #tpu.memory_space<vmem_shared>> -> memref<48x128xf32, #tpu.memory_space<vmem_shared>>
      tpu.wait_dma2 semaphore(%run_scoped3A : memref<!tpu.dma_semaphore, #tpu.memory_space<semaphore_mem>>) src(%arg14 : memref<48x128xf32, #tpu.memory_space<vmem>>) dst(%dma_wait3A_106 : memref<48x128xf32, #tpu.memory_space<vmem_shared>>)
      tpu.yield
    }) : () -> ()
    %add3A_46 = arith.constant 480 : i32
    %add3A_47 = arith.addi %mul3A_25, %add3A_46 : i32
    "tpu.region"() ({
      %run_scoped3A = tpu.sem_alloc : memref<!tpu.dma_semaphore, #tpu.memory_space<semaphore_mem>>
      %dma_start3A_99 = arith.constant 0 : i32
      %dma_start3A_100 = tpu.memref_slice %arg5[%add3A_47, %dma_start3A_99] : memref<10000x128xf32, #tpu.memory_space<vmem_shared>> -> memref<48x128xf32, #tpu.memory_space<vmem_shared>>
      %dma_start3A_101 = arith.constant 0 : i32
      %dma_start3A_102 = tpu.memref_slice %arg5[%add3A_47, %dma_start3A_101] : memref<10000x128xf32, #tpu.memory_space<vmem_shared>> -> memref<48x128xf32, #tpu.memory_space<vmem_shared>>
      tpu.enqueue_dma source(%arg14 : memref<48x128xf32, #tpu.memory_space<vmem>>) target(%dma_start3A_102 : memref<48x128xf32, #tpu.memory_space<vmem_shared>>) target_semaphore(%run_scoped3A : memref<!tpu.dma_semaphore, #tpu.memory_space<semaphore_mem>>)
      %dma_wait3A_103 = arith.constant 0 : i32
      %dma_wait3A_104 = tpu.memref_slice %arg5[%add3A_47, %dma_wait3A_103] : memref<10000x128xf32, #tpu.memory_space<vmem_shared>> -> memref<48x128xf32, #tpu.memory_space<vmem_shared>>
      %dma_wait3A_105 = arith.constant 0 : i32
      %dma_wait3A_106 = tpu.memref_slice %arg5[%add3A_47, %dma_wait3A_105] : memref<10000x128xf32, #tpu.memory_space<vmem_shared>> -> memref<48x128xf32, #tpu.memory_space<vmem_shared>>
      tpu.wait_dma2 semaphore(%run_scoped3A : memref<!tpu.dma_semaphore, #tpu.memory_space<semaphore_mem>>) src(%arg14 : memref<48x128xf32, #tpu.memory_space<vmem>>) dst(%dma_wait3A_106 : memref<48x128xf32, #tpu.memory_space<vmem_shared>>)
      tpu.yield
    }) : () -> ()
    %add3A_48 = arith.constant 528 : i32
    %add3A_49 = arith.addi %mul3A_25, %add3A_48 : i32
    "tpu.region"() ({
      %run_scoped3A = tpu.sem_alloc : memref<!tpu.dma_semaphore, #tpu.memory_space<semaphore_mem>>
      %dma_start3A_99 = arith.constant 0 : i32
      %dma_start3A_100 = tpu.memref_slice %arg5[%add3A_49, %dma_start3A_99] : memref<10000x128xf32, #tpu.memory_space<vmem_shared>> -> memref<48x128xf32, #tpu.memory_space<vmem_shared>>
      %dma_start3A_101 = arith.constant 0 : i32
      %dma_start3A_102 = tpu.memref_slice %arg5[%add3A_49, %dma_start3A_101] : memref<10000x128xf32, #tpu.memory_space<vmem_shared>> -> memref<48x128xf32, #tpu.memory_space<vmem_shared>>
      tpu.enqueue_dma source(%arg14 : memref<48x128xf32, #tpu.memory_space<vmem>>) target(%dma_start3A_102 : memref<48x128xf32, #tpu.memory_space<vmem_shared>>) target_semaphore(%run_scoped3A : memref<!tpu.dma_semaphore, #tpu.memory_space<semaphore_mem>>)
      %dma_wait3A_103 = arith.constant 0 : i32
      %dma_wait3A_104 = tpu.memref_slice %arg5[%add3A_49, %dma_wait3A_103] : memref<10000x128xf32, #tpu.memory_space<vmem_shared>> -> memref<48x128xf32, #tpu.memory_space<vmem_shared>>
      %dma_wait3A_105 = arith.constant 0 : i32
      %dma_wait3A_106 = tpu.memref_slice %arg5[%add3A_49, %dma_wait3A_105] : memref<10000x128xf32, #tpu.memory_space<vmem_shared>> -> memref<48x128xf32, #tpu.memory_space<vmem_shared>>
      tpu.wait_dma2 semaphore(%run_scoped3A : memref<!tpu.dma_semaphore, #tpu.memory_space<semaphore_mem>>) src(%arg14 : memref<48x128xf32, #tpu.memory_space<vmem>>) dst(%dma_wait3A_106 : memref<48x128xf32, #tpu.memory_space<vmem_shared>>)
      tpu.yield
    }) : () -> ()
    %add3A_50 = arith.constant 576 : i32
    %add3A_51 = arith.addi %mul3A_25, %add3A_50 : i32
    "tpu.region"() ({
      %run_scoped3A = tpu.sem_alloc : memref<!tpu.dma_semaphore, #tpu.memory_space<semaphore_mem>>
      %dma_start3A_99 = arith.constant 0 : i32
      %dma_start3A_100 = tpu.memref_slice %arg5[%add3A_51, %dma_start3A_99] : memref<10000x128xf32, #tpu.memory_space<vmem_shared>> -> memref<48x128xf32, #tpu.memory_space<vmem_shared>>
      %dma_start3A_101 = arith.constant 0 : i32
      %dma_start3A_102 = tpu.memref_slice %arg5[%add3A_51, %dma_start3A_101] : memref<10000x128xf32, #tpu.memory_space<vmem_shared>> -> memref<48x128xf32, #tpu.memory_space<vmem_shared>>
      tpu.enqueue_dma source(%arg14 : memref<48x128xf32, #tpu.memory_space<vmem>>) target(%dma_start3A_102 : memref<48x128xf32, #tpu.memory_space<vmem_shared>>) target_semaphore(%run_scoped3A : memref<!tpu.dma_semaphore, #tpu.memory_space<semaphore_mem>>)
      %dma_wait3A_103 = arith.constant 0 : i32
      %dma_wait3A_104 = tpu.memref_slice %arg5[%add3A_51, %dma_wait3A_103] : memref<10000x128xf32, #tpu.memory_space<vmem_shared>> -> memref<48x128xf32, #tpu.memory_space<vmem_shared>>
      %dma_wait3A_105 = arith.constant 0 : i32
      %dma_wait3A_106 = tpu.memref_slice %arg5[%add3A_51, %dma_wait3A_105] : memref<10000x128xf32, #tpu.memory_space<vmem_shared>> -> memref<48x128xf32, #tpu.memory_space<vmem_shared>>
      tpu.wait_dma2 semaphore(%run_scoped3A : memref<!tpu.dma_semaphore, #tpu.memory_space<semaphore_mem>>) src(%arg14 : memref<48x128xf32, #tpu.memory_space<vmem>>) dst(%dma_wait3A_106 : memref<48x128xf32, #tpu.memory_space<vmem_shared>>)
      tpu.yield
    }) : () -> ()
    %eq3A = arith.constant 15 : i32
    %eq3A_52 = arith.cmpi eq, %arg1, %eq3A : i32
    %convert_element_type3A = arith.extui %eq3A_52 : i1 to i32
    %cond3A = arith.constant 0 : i32
    %cond3A_53 = arith.cmpi ne, %convert_element_type3A, %cond3A : i32
    scf.if %cond3A_53 {
      "tpu.region"() ({
        %run_scoped3A = tpu.sem_alloc : memref<!tpu.dma_semaphore, #tpu.memory_space<semaphore_mem>>
        %dma_start3A_99 = arith.constant 0 : i32
        %dma_start3A_100 = arith.constant 0 : i32
        %dma_start3A_101 = tpu.memref_slice %arg14[%dma_start3A_99, %dma_start3A_100] : memref<48x128xf32, #tpu.memory_space<vmem>> -> memref<16x128xf32, #tpu.memory_space<vmem>>
        %dma_start3A_102 = arith.constant 9984 : i32
        %dma_start3A_103 = arith.constant 0 : i32
        %dma_start3A_104 = tpu.memref_slice %arg5[%dma_start3A_102, %dma_start3A_103] : memref<10000x128xf32, #tpu.memory_space<vmem_shared>> -> memref<16x128xf32, #tpu.memory_space<vmem_shared>>
        %dma_start3A_105 = arith.constant 9984 : i32
        %dma_start3A_106 = arith.constant 0 : i32
        %dma_start3A_107 = tpu.memref_slice %arg5[%dma_start3A_105, %dma_start3A_106] : memref<10000x128xf32, #tpu.memory_space<vmem_shared>> -> memref<16x128xf32, #tpu.memory_space<vmem_shared>>
        %dma_start3A_108 = arith.constant 0 : i32
        %dma_start3A_109 = arith.constant 0 : i32
        %dma_start3A_110 = tpu.memref_slice %arg14[%dma_start3A_108, %dma_start3A_109] : memref<48x128xf32, #tpu.memory_space<vmem>> -> memref<16x128xf32, #tpu.memory_space<vmem>>
        tpu.enqueue_dma source(%dma_start3A_110 : memref<16x128xf32, #tpu.memory_space<vmem>>) target(%dma_start3A_107 : memref<16x128xf32, #tpu.memory_space<vmem_shared>>) target_semaphore(%run_scoped3A : memref<!tpu.dma_semaphore, #tpu.memory_space<semaphore_mem>>)
        %dma_wait3A_111 = arith.constant 0 : i32
        %dma_wait3A_112 = arith.constant 0 : i32
        %dma_wait3A_113 = tpu.memref_slice %arg14[%dma_wait3A_111, %dma_wait3A_112] : memref<48x128xf32, #tpu.memory_space<vmem>> -> memref<16x128xf32, #tpu.memory_space<vmem>>
        %dma_wait3A_114 = arith.constant 9984 : i32
        %dma_wait3A_115 = arith.constant 0 : i32
        %dma_wait3A_116 = tpu.memref_slice %arg5[%dma_wait3A_114, %dma_wait3A_115] : memref<10000x128xf32, #tpu.memory_space<vmem_shared>> -> memref<16x128xf32, #tpu.memory_space<vmem_shared>>
        %dma_wait3A_117 = arith.constant 9984 : i32
        %dma_wait3A_118 = arith.constant 0 : i32
        %dma_wait3A_119 = tpu.memref_slice %arg5[%dma_wait3A_117, %dma_wait3A_118] : memref<10000x128xf32, #tpu.memory_space<vmem_shared>> -> memref<16x128xf32, #tpu.memory_space<vmem_shared>>
        %dma_wait3A_120 = arith.constant 0 : i32
        %dma_wait3A_121 = arith.constant 0 : i32
        %dma_wait3A_122 = tpu.memref_slice %arg14[%dma_wait3A_120, %dma_wait3A_121] : memref<48x128xf32, #tpu.memory_space<vmem>> -> memref<16x128xf32, #tpu.memory_space<vmem>>
        tpu.wait_dma2 semaphore(%run_scoped3A : memref<!tpu.dma_semaphore, #tpu.memory_space<semaphore_mem>>) src(%dma_wait3A_122 : memref<16x128xf32, #tpu.memory_space<vmem>>) dst(%dma_wait3A_119 : memref<16x128xf32, #tpu.memory_space<vmem_shared>>)
        tpu.yield
      }) : () -> ()
    } else {
    }
    %barrier3A = arith.constant 0 : index
    tpu.barrier barrier_id(%barrier3A)
    %scan3A_54 = arith.constant 0 : i32
    %scan3A_55 = arith.constant 0 : i32
    %scan3A_56 = arith.constant 31 : i32
    %scan3A_57 = arith.addi %scan3A_55, %scan3A_56 : i32
    %scan3A_58 = arith.constant 1 : i32
    scf.for %scan3A_99 = %scan3A_55 to %scan3A_57 step %scan3A_58  : i32 {
      %mul3A_100 = arith.constant 4 : i32
      %mul3A_101 = arith.muli %mul3A_100, %scan3A_99 : i32
      %add3A_102 = arith.constant 0 : i32
      %add3A_103 = arith.addi %mul3A_101, %add3A_102 : i32
      %mul3A_104 = arith.constant 80 : i32
      %mul3A_105 = arith.muli %add3A_103, %mul3A_104 : i32
      %add3A_106 = arith.addi %add3A, %mul3A_105 : i32
      %dma_wait3A_107 = arith.constant 0 : i32
      %dma_wait3A_108 = tpu.memref_slice %arg2[%add3A_106, %dma_wait3A_107] : memref<320000x128xf32, #tpu.memory_space<hbm>> -> memref<80x128xf32, #tpu.memory_space<hbm>>
      %dma_wait3A_109 = arith.constant 0 : i32
      %dma_wait3A_110 = tpu.memref_slice %arg2[%add3A_106, %dma_wait3A_109] : memref<320000x128xf32, #tpu.memory_space<hbm>> -> memref<80x128xf32, #tpu.memory_space<hbm>>
      tpu.wait_dma2 semaphore(%arg15 : memref<!tpu.dma_semaphore, #tpu.memory_space<semaphore_mem>>) src(%dma_wait3A_110 : memref<80x128xf32, #tpu.memory_space<hbm>>) dst(%arg6 : memref<80x128xf32, #tpu.memory_space<vmem>>)
      %dma_wait3A_111 = tpu.memref_slice %arg3[%add3A_106] : memref<320000xi32, #tpu.memory_space<hbm>> -> memref<80xi32, #tpu.memory_space<hbm>>
      %dma_wait3A_112 = tpu.memref_slice %arg3[%add3A_106] : memref<320000xi32, #tpu.memory_space<hbm>> -> memref<80xi32, #tpu.memory_space<hbm>>
      tpu.wait_dma2 semaphore(%arg15 : memref<!tpu.dma_semaphore, #tpu.memory_space<semaphore_mem>>) src(%dma_wait3A_112 : memref<80xi32, #tpu.memory_space<hbm>>) dst(%arg10 : memref<80xi32, #tpu.memory_space<vmem>>)
      %gt3A = arith.constant 0 : i32
      %gt3A_113 = arith.cmpi sgt, %scan3A_99, %gt3A : i32
      %convert_element_type3A_114 = arith.extui %gt3A_113 : i1 to i32
      %cond3A_115 = arith.constant 0 : i32
      %cond3A_116 = arith.cmpi ne, %convert_element_type3A_114, %cond3A_115 : i32
      scf.if %cond3A_116 {
      } else {
      }
      %add3A_117 = arith.constant 2 : i32
      %add3A_118 = arith.addi %add3A_103, %add3A_117 : i32
      %mul3A_119 = arith.constant 80 : i32
      %mul3A_120 = arith.muli %add3A_118, %mul3A_119 : i32
      %add3A_121 = arith.addi %add3A, %mul3A_120 : i32
      %dma_start3A_122 = arith.constant 0 : i32
      %dma_start3A_123 = tpu.memref_slice %arg2[%add3A_121, %dma_start3A_122] : memref<320000x128xf32, #tpu.memory_space<hbm>> -> memref<80x128xf32, #tpu.memory_space<hbm>>
      %dma_start3A_124 = arith.constant 0 : i32
      %dma_start3A_125 = tpu.memref_slice %arg2[%add3A_121, %dma_start3A_124] : memref<320000x128xf32, #tpu.memory_space<hbm>> -> memref<80x128xf32, #tpu.memory_space<hbm>>
      tpu.enqueue_dma source(%dma_start3A_125 : memref<80x128xf32, #tpu.memory_space<hbm>>) target(%arg8 : memref<80x128xf32, #tpu.memory_space<vmem>>) target_semaphore(%arg17 : memref<!tpu.dma_semaphore, #tpu.memory_space<semaphore_mem>>)
      %dma_start3A_126 = tpu.memref_slice %arg3[%add3A_121] : memref<320000xi32, #tpu.memory_space<hbm>> -> memref<80xi32, #tpu.memory_space<hbm>>
      %dma_start3A_127 = tpu.memref_slice %arg3[%add3A_121] : memref<320000xi32, #tpu.memory_space<hbm>> -> memref<80xi32, #tpu.memory_space<hbm>>
      tpu.enqueue_dma source(%dma_start3A_127 : memref<80xi32, #tpu.memory_space<hbm>>) target(%arg12 : memref<80xi32, #tpu.memory_space<vmem>>) target_semaphore(%arg17 : memref<!tpu.dma_semaphore, #tpu.memory_space<semaphore_mem>>)
      %mul3A_128 = arith.constant 4 : i32
      %mul3A_129 = arith.muli %mul3A_128, %scan3A_99 : i32
      %add3A_130 = arith.constant 1 : i32
      %add3A_131 = arith.addi %mul3A_129, %add3A_130 : i32
      %mul3A_132 = arith.constant 80 : i32
      %mul3A_133 = arith.muli %add3A_131, %mul3A_132 : i32
      %add3A_134 = arith.addi %add3A, %mul3A_133 : i32
      %dma_wait3A_135 = arith.constant 0 : i32
      %dma_wait3A_136 = tpu.memref_slice %arg2[%add3A_134, %dma_wait3A_135] : memref<320000x128xf32, #tpu.memory_space<hbm>> -> memref<80x128xf32, #tpu.memory_space<hbm>>
      %dma_wait3A_137 = arith.constant 0 : i32
      %dma_wait3A_138 = tpu.memref_slice %arg2[%add3A_134, %dma_wait3A_137] : memref<320000x128xf32, #tpu.memory_space<hbm>> -> memref<80x128xf32, #tpu.memory_space<hbm>>
      tpu.wait_dma2 semaphore(%arg16 : memref<!tpu.dma_semaphore, #tpu.memory_space<semaphore_mem>>) src(%dma_wait3A_138 : memref<80x128xf32, #tpu.memory_space<hbm>>) dst(%arg7 : memref<80x128xf32, #tpu.memory_space<vmem>>)
      %dma_wait3A_139 = tpu.memref_slice %arg3[%add3A_134] : memref<320000xi32, #tpu.memory_space<hbm>> -> memref<80xi32, #tpu.memory_space<hbm>>
      %dma_wait3A_140 = tpu.memref_slice %arg3[%add3A_134] : memref<320000xi32, #tpu.memory_space<hbm>> -> memref<80xi32, #tpu.memory_space<hbm>>
      tpu.wait_dma2 semaphore(%arg16 : memref<!tpu.dma_semaphore, #tpu.memory_space<semaphore_mem>>) src(%dma_wait3A_140 : memref<80xi32, #tpu.memory_space<hbm>>) dst(%arg11 : memref<80xi32, #tpu.memory_space<vmem>>)
      %gt3A_141 = arith.constant 0 : i32
      %gt3A_142 = arith.cmpi sgt, %scan3A_99, %gt3A_141 : i32
      %convert_element_type3A_143 = arith.extui %gt3A_142 : i1 to i32
      %cond3A_144 = arith.constant 0 : i32
      %cond3A_145 = arith.cmpi ne, %convert_element_type3A_143, %cond3A_144 : i32
      scf.if %cond3A_145 {
      } else {
      }
      %add3A_146 = arith.constant 2 : i32
      %add3A_147 = arith.addi %add3A_131, %add3A_146 : i32
      %mul3A_148 = arith.constant 80 : i32
      %mul3A_149 = arith.muli %add3A_147, %mul3A_148 : i32
      %add3A_150 = arith.addi %add3A, %mul3A_149 : i32
      %dma_start3A_151 = arith.constant 0 : i32
      %dma_start3A_152 = tpu.memref_slice %arg2[%add3A_150, %dma_start3A_151] : memref<320000x128xf32, #tpu.memory_space<hbm>> -> memref<80x128xf32, #tpu.memory_space<hbm>>
      %dma_start3A_153 = arith.constant 0 : i32
      %dma_start3A_154 = tpu.memref_slice %arg2[%add3A_150, %dma_start3A_153] : memref<320000x128xf32, #tpu.memory_space<hbm>> -> memref<80x128xf32, #tpu.memory_space<hbm>>
      tpu.enqueue_dma source(%dma_start3A_154 : memref<80x128xf32, #tpu.memory_space<hbm>>) target(%arg9 : memref<80x128xf32, #tpu.memory_space<vmem>>) target_semaphore(%arg18 : memref<!tpu.dma_semaphore, #tpu.memory_space<semaphore_mem>>)
      %dma_start3A_155 = tpu.memref_slice %arg3[%add3A_150] : memref<320000xi32, #tpu.memory_space<hbm>> -> memref<80xi32, #tpu.memory_space<hbm>>
      %dma_start3A_156 = tpu.memref_slice %arg3[%add3A_150] : memref<320000xi32, #tpu.memory_space<hbm>> -> memref<80xi32, #tpu.memory_space<hbm>>
      tpu.enqueue_dma source(%dma_start3A_156 : memref<80xi32, #tpu.memory_space<hbm>>) target(%arg13 : memref<80xi32, #tpu.memory_space<vmem>>) target_semaphore(%arg18 : memref<!tpu.dma_semaphore, #tpu.memory_space<semaphore_mem>>)
      %mul3A_157 = arith.constant 4 : i32
      %mul3A_158 = arith.muli %mul3A_157, %scan3A_99 : i32
      %add3A_159 = arith.constant 2 : i32
      %add3A_160 = arith.addi %mul3A_158, %add3A_159 : i32
      %mul3A_161 = arith.constant 80 : i32
      %mul3A_162 = arith.muli %add3A_160, %mul3A_161 : i32
      %add3A_163 = arith.addi %add3A, %mul3A_162 : i32
      %dma_wait3A_164 = arith.constant 0 : i32
      %dma_wait3A_165 = tpu.memref_slice %arg2[%add3A_163, %dma_wait3A_164] : memref<320000x128xf32, #tpu.memory_space<hbm>> -> memref<80x128xf32, #tpu.memory_space<hbm>>
      %dma_wait3A_166 = arith.constant 0 : i32
      %dma_wait3A_167 = tpu.memref_slice %arg2[%add3A_163, %dma_wait3A_166] : memref<320000x128xf32, #tpu.memory_space<hbm>> -> memref<80x128xf32, #tpu.memory_space<hbm>>
      tpu.wait_dma2 semaphore(%arg17 : memref<!tpu.dma_semaphore, #tpu.memory_space<semaphore_mem>>) src(%dma_wait3A_167 : memref<80x128xf32, #tpu.memory_space<hbm>>) dst(%arg8 : memref<80x128xf32, #tpu.memory_space<vmem>>)
      %dma_wait3A_168 = tpu.memref_slice %arg3[%add3A_163] : memref<320000xi32, #tpu.memory_space<hbm>> -> memref<80xi32, #tpu.memory_space<hbm>>
      %dma_wait3A_169 = tpu.memref_slice %arg3[%add3A_163] : memref<320000xi32, #tpu.memory_space<hbm>> -> memref<80xi32, #tpu.memory_space<hbm>>
      tpu.wait_dma2 semaphore(%arg17 : memref<!tpu.dma_semaphore, #tpu.memory_space<semaphore_mem>>) src(%dma_wait3A_169 : memref<80xi32, #tpu.memory_space<hbm>>) dst(%arg12 : memref<80xi32, #tpu.memory_space<vmem>>)
      %add3A_170 = arith.constant 2 : i32
      %add3A_171 = arith.addi %add3A_160, %add3A_170 : i32
      %mul3A_172 = arith.constant 80 : i32
      %mul3A_173 = arith.muli %add3A_171, %mul3A_172 : i32
      %add3A_174 = arith.addi %add3A, %mul3A_173 : i32
      %dma_start3A_175 = arith.constant 0 : i32
      %dma_start3A_176 = tpu.memref_slice %arg2[%add3A_174, %dma_start3A_175] : memref<320000x128xf32, #tpu.memory_space<hbm>> -> memref<80x128xf32, #tpu.memory_space<hbm>>
      %dma_start3A_177 = arith.constant 0 : i32
      %dma_start3A_178 = tpu.memref_slice %arg2[%add3A_174, %dma_start3A_177] : memref<320000x128xf32, #tpu.memory_space<hbm>> -> memref<80x128xf32, #tpu.memory_space<hbm>>
      tpu.enqueue_dma source(%dma_start3A_178 : memref<80x128xf32, #tpu.memory_space<hbm>>) target(%arg6 : memref<80x128xf32, #tpu.memory_space<vmem>>) target_semaphore(%arg15 : memref<!tpu.dma_semaphore, #tpu.memory_space<semaphore_mem>>)
      %dma_start3A_179 = tpu.memref_slice %arg3[%add3A_174] : memref<320000xi32, #tpu.memory_space<hbm>> -> memref<80xi32, #tpu.memory_space<hbm>>
      %dma_start3A_180 = tpu.memref_slice %arg3[%add3A_174] : memref<320000xi32, #tpu.memory_space<hbm>> -> memref<80xi32, #tpu.memory_space<hbm>>
      tpu.enqueue_dma source(%dma_start3A_180 : memref<80xi32, #tpu.memory_space<hbm>>) target(%arg10 : memref<80xi32, #tpu.memory_space<vmem>>) target_semaphore(%arg15 : memref<!tpu.dma_semaphore, #tpu.memory_space<semaphore_mem>>)
      %mul3A_181 = arith.constant 4 : i32
      %mul3A_182 = arith.muli %mul3A_181, %scan3A_99 : i32
      %add3A_183 = arith.constant 3 : i32
      %add3A_184 = arith.addi %mul3A_182, %add3A_183 : i32
      %mul3A_185 = arith.constant 80 : i32
      %mul3A_186 = arith.muli %add3A_184, %mul3A_185 : i32
      %add3A_187 = arith.addi %add3A, %mul3A_186 : i32
      %dma_wait3A_188 = arith.constant 0 : i32
      %dma_wait3A_189 = tpu.memref_slice %arg2[%add3A_187, %dma_wait3A_188] : memref<320000x128xf32, #tpu.memory_space<hbm>> -> memref<80x128xf32, #tpu.memory_space<hbm>>
      %dma_wait3A_190 = arith.constant 0 : i32
      %dma_wait3A_191 = tpu.memref_slice %arg2[%add3A_187, %dma_wait3A_190] : memref<320000x128xf32, #tpu.memory_space<hbm>> -> memref<80x128xf32, #tpu.memory_space<hbm>>
      tpu.wait_dma2 semaphore(%arg18 : memref<!tpu.dma_semaphore, #tpu.memory_space<semaphore_mem>>) src(%dma_wait3A_191 : memref<80x128xf32, #tpu.memory_space<hbm>>) dst(%arg9 : memref<80x128xf32, #tpu.memory_space<vmem>>)
      %dma_wait3A_192 = tpu.memref_slice %arg3[%add3A_187] : memref<320000xi32, #tpu.memory_space<hbm>> -> memref<80xi32, #tpu.memory_space<hbm>>
      %dma_wait3A_193 = tpu.memref_slice %arg3[%add3A_187] : memref<320000xi32, #tpu.memory_space<hbm>> -> memref<80xi32, #tpu.memory_space<hbm>>
      tpu.wait_dma2 semaphore(%arg18 : memref<!tpu.dma_semaphore, #tpu.memory_space<semaphore_mem>>) src(%dma_wait3A_193 : memref<80xi32, #tpu.memory_space<hbm>>) dst(%arg13 : memref<80xi32, #tpu.memory_space<vmem>>)
      %lt3A = arith.constant 30 : i32
      %lt3A_194 = arith.cmpi slt, %scan3A_99, %lt3A : i32
      %convert_element_type3A_195 = arith.extui %lt3A_194 : i1 to i32
      %cond3A_196 = arith.constant 0 : i32
      %cond3A_197 = arith.cmpi ne, %convert_element_type3A_195, %cond3A_196 : i32
      scf.if %cond3A_197 {
        %add3A_198 = arith.constant 2 : i32
        %add3A_199 = arith.addi %add3A_184, %add3A_198 : i32
        %mul3A_200 = arith.constant 80 : i32
        %mul3A_201 = arith.muli %add3A_199, %mul3A_200 : i32
        %add3A_202 = arith.addi %add3A, %mul3A_201 : i32
        %dma_start3A_203 = arith.constant 0 : i32
        %dma_start3A_204 = tpu.memref_slice %arg2[%add3A_202, %dma_start3A_203] : memref<320000x128xf32, #tpu.memory_space<hbm>> -> memref<80x128xf32, #tpu.memory_space<hbm>>
        %dma_start3A_205 = arith.constant 0 : i32
        %dma_start3A_206 = tpu.memref_slice %arg2[%add3A_202, %dma_start3A_205] : memref<320000x128xf32, #tpu.memory_space<hbm>> -> memref<80x128xf32, #tpu.memory_space<hbm>>
        tpu.enqueue_dma source(%dma_start3A_206 : memref<80x128xf32, #tpu.memory_space<hbm>>) target(%arg7 : memref<80x128xf32, #tpu.memory_space<vmem>>) target_semaphore(%arg16 : memref<!tpu.dma_semaphore, #tpu.memory_space<semaphore_mem>>)
        %dma_start3A_207 = tpu.memref_slice %arg3[%add3A_202] : memref<320000xi32, #tpu.memory_space<hbm>> -> memref<80xi32, #tpu.memory_space<hbm>>
        %dma_start3A_208 = tpu.memref_slice %arg3[%add3A_202] : memref<320000xi32, #tpu.memory_space<hbm>> -> memref<80xi32, #tpu.memory_space<hbm>>
        tpu.enqueue_dma source(%dma_start3A_208 : memref<80xi32, #tpu.memory_space<hbm>>) target(%arg11 : memref<80xi32, #tpu.memory_space<vmem>>) target_semaphore(%arg16 : memref<!tpu.dma_semaphore, #tpu.memory_space<semaphore_mem>>)
      } else {
      }
    }
    %scan3A_59 = arith.constant 31 : i32
    %add3A_60 = arith.constant 9920 : i32
    %add3A_61 = arith.addi %add3A, %add3A_60 : i32
    %dma_wait3A = arith.constant 0 : i32
    %dma_wait3A_62 = tpu.memref_slice %arg2[%add3A_61, %dma_wait3A] : memref<320000x128xf32, #tpu.memory_space<hbm>> -> memref<80x128xf32, #tpu.memory_space<hbm>>
    %dma_wait3A_63 = arith.constant 0 : i32
    %dma_wait3A_64 = tpu.memref_slice %arg2[%add3A_61, %dma_wait3A_63] : memref<320000x128xf32, #tpu.memory_space<hbm>> -> memref<80x128xf32, #tpu.memory_space<hbm>>
    tpu.wait_dma2 semaphore(%arg15 : memref<!tpu.dma_semaphore, #tpu.memory_space<semaphore_mem>>) src(%dma_wait3A_64 : memref<80x128xf32, #tpu.memory_space<hbm>>) dst(%arg6 : memref<80x128xf32, #tpu.memory_space<vmem>>)
    %dma_wait3A_65 = tpu.memref_slice %arg3[%add3A_61] : memref<320000xi32, #tpu.memory_space<hbm>> -> memref<80xi32, #tpu.memory_space<hbm>>
    %dma_wait3A_66 = tpu.memref_slice %arg3[%add3A_61] : memref<320000xi32, #tpu.memory_space<hbm>> -> memref<80xi32, #tpu.memory_space<hbm>>
    tpu.wait_dma2 semaphore(%arg15 : memref<!tpu.dma_semaphore, #tpu.memory_space<semaphore_mem>>) src(%dma_wait3A_66 : memref<80xi32, #tpu.memory_space<hbm>>) dst(%arg10 : memref<80xi32, #tpu.memory_space<vmem>>)
    %barrier3A_67 = arith.constant 0 : index
    tpu.barrier barrier_id(%barrier3A_67)
    %add3A_68 = arith.constant 0 : i32
    %add3A_69 = arith.addi %mul3A_25, %add3A_68 : i32
    "tpu.region"() ({
      %run_scoped3A = tpu.sem_alloc : memref<!tpu.dma_semaphore, #tpu.memory_space<semaphore_mem>>
      %dma_start3A_99 = arith.constant 0 : i32
      %dma_start3A_100 = tpu.memref_slice %arg5[%add3A_69, %dma_start3A_99] : memref<10000x128xf32, #tpu.memory_space<vmem_shared>> -> memref<48x128xf32, #tpu.memory_space<vmem_shared>>
      %dma_start3A_101 = arith.constant 0 : i32
      %dma_start3A_102 = tpu.memref_slice %arg5[%add3A_69, %dma_start3A_101] : memref<10000x128xf32, #tpu.memory_space<vmem_shared>> -> memref<48x128xf32, #tpu.memory_space<vmem_shared>>
      tpu.enqueue_dma source(%dma_start3A_102 : memref<48x128xf32, #tpu.memory_space<vmem_shared>>) target(%arg14 : memref<48x128xf32, #tpu.memory_space<vmem>>) target_semaphore(%run_scoped3A : memref<!tpu.dma_semaphore, #tpu.memory_space<semaphore_mem>>)
      %dma_wait3A_103 = arith.constant 0 : i32
      %dma_wait3A_104 = tpu.memref_slice %arg5[%add3A_69, %dma_wait3A_103] : memref<10000x128xf32, #tpu.memory_space<vmem_shared>> -> memref<48x128xf32, #tpu.memory_space<vmem_shared>>
      %dma_wait3A_105 = arith.constant 0 : i32
      %dma_wait3A_106 = tpu.memref_slice %arg5[%add3A_69, %dma_wait3A_105] : memref<10000x128xf32, #tpu.memory_space<vmem_shared>> -> memref<48x128xf32, #tpu.memory_space<vmem_shared>>
      tpu.wait_dma2 semaphore(%run_scoped3A : memref<!tpu.dma_semaphore, #tpu.memory_space<semaphore_mem>>) src(%dma_wait3A_106 : memref<48x128xf32, #tpu.memory_space<vmem_shared>>) dst(%arg14 : memref<48x128xf32, #tpu.memory_space<vmem>>)
      tpu.yield
    }) : () -> ()
    "tpu.region"() ({
      %run_scoped3A = tpu.sem_alloc : memref<!tpu.dma_semaphore, #tpu.memory_space<semaphore_mem>>
      %dma_start3A_99 = arith.constant 0 : i32
      %dma_start3A_100 = tpu.memref_slice %arg4[%arg0, %add3A_69, %dma_start3A_99] : memref<2x10000x128xf32, #tpu.memory_space<hbm>> -> memref<1x48x128xf32, #tpu.memory_space<hbm>>
      %dma_start3A_101 = tpu.memref_squeeze %dma_start3A_100 : memref<1x48x128xf32, #tpu.memory_space<hbm>> -> memref<48x128xf32, #tpu.memory_space<hbm>>
      %dma_start3A_102 = arith.constant 0 : i32
      %dma_start3A_103 = tpu.memref_slice %arg4[%arg0, %add3A_69, %dma_start3A_102] : memref<2x10000x128xf32, #tpu.memory_space<hbm>> -> memref<1x48x128xf32, #tpu.memory_space<hbm>>
      %dma_start3A_104 = tpu.memref_squeeze %dma_start3A_103 : memref<1x48x128xf32, #tpu.memory_space<hbm>> -> memref<48x128xf32, #tpu.memory_space<hbm>>
      tpu.enqueue_dma source(%arg14 : memref<48x128xf32, #tpu.memory_space<vmem>>) target(%dma_start3A_104 : memref<48x128xf32, #tpu.memory_space<hbm>>) target_semaphore(%run_scoped3A : memref<!tpu.dma_semaphore, #tpu.memory_space<semaphore_mem>>)
      %dma_wait3A_105 = arith.constant 0 : i32
      %dma_wait3A_106 = tpu.memref_slice %arg4[%arg0, %add3A_69, %dma_wait3A_105] : memref<2x10000x128xf32, #tpu.memory_space<hbm>> -> memref<1x48x128xf32, #tpu.memory_space<hbm>>
      %dma_wait3A_107 = tpu.memref_squeeze %dma_wait3A_106 : memref<1x48x128xf32, #tpu.memory_space<hbm>> -> memref<48x128xf32, #tpu.memory_space<hbm>>
      %dma_wait3A_108 = arith.constant 0 : i32
      %dma_wait3A_109 = tpu.memref_slice %arg4[%arg0, %add3A_69, %dma_wait3A_108] : memref<2x10000x128xf32, #tpu.memory_space<hbm>> -> memref<1x48x128xf32, #tpu.memory_space<hbm>>
      %dma_wait3A_110 = tpu.memref_squeeze %dma_wait3A_109 : memref<1x48x128xf32, #tpu.memory_space<hbm>> -> memref<48x128xf32, #tpu.memory_space<hbm>>
      tpu.wait_dma2 semaphore(%run_scoped3A : memref<!tpu.dma_semaphore, #tpu.memory_space<semaphore_mem>>) src(%arg14 : memref<48x128xf32, #tpu.memory_space<vmem>>) dst(%dma_wait3A_110 : memref<48x128xf32, #tpu.memory_space<hbm>>)
      tpu.yield
    }) : () -> ()
    %add3A_70 = arith.constant 48 : i32
    %add3A_71 = arith.addi %mul3A_25, %add3A_70 : i32
    "tpu.region"() ({
      %run_scoped3A = tpu.sem_alloc : memref<!tpu.dma_semaphore, #tpu.memory_space<semaphore_mem>>
      %dma_start3A_99 = arith.constant 0 : i32
      %dma_start3A_100 = tpu.memref_slice %arg5[%add3A_71, %dma_start3A_99] : memref<10000x128xf32, #tpu.memory_space<vmem_shared>> -> memref<48x128xf32, #tpu.memory_space<vmem_shared>>
      %dma_start3A_101 = arith.constant 0 : i32
      %dma_start3A_102 = tpu.memref_slice %arg5[%add3A_71, %dma_start3A_101] : memref<10000x128xf32, #tpu.memory_space<vmem_shared>> -> memref<48x128xf32, #tpu.memory_space<vmem_shared>>
      tpu.enqueue_dma source(%dma_start3A_102 : memref<48x128xf32, #tpu.memory_space<vmem_shared>>) target(%arg14 : memref<48x128xf32, #tpu.memory_space<vmem>>) target_semaphore(%run_scoped3A : memref<!tpu.dma_semaphore, #tpu.memory_space<semaphore_mem>>)
      %dma_wait3A_103 = arith.constant 0 : i32
      %dma_wait3A_104 = tpu.memref_slice %arg5[%add3A_71, %dma_wait3A_103] : memref<10000x128xf32, #tpu.memory_space<vmem_shared>> -> memref<48x128xf32, #tpu.memory_space<vmem_shared>>
      %dma_wait3A_105 = arith.constant 0 : i32
      %dma_wait3A_106 = tpu.memref_slice %arg5[%add3A_71, %dma_wait3A_105] : memref<10000x128xf32, #tpu.memory_space<vmem_shared>> -> memref<48x128xf32, #tpu.memory_space<vmem_shared>>
      tpu.wait_dma2 semaphore(%run_scoped3A : memref<!tpu.dma_semaphore, #tpu.memory_space<semaphore_mem>>) src(%dma_wait3A_106 : memref<48x128xf32, #tpu.memory_space<vmem_shared>>) dst(%arg14 : memref<48x128xf32, #tpu.memory_space<vmem>>)
      tpu.yield
    }) : () -> ()
    "tpu.region"() ({
      %run_scoped3A = tpu.sem_alloc : memref<!tpu.dma_semaphore, #tpu.memory_space<semaphore_mem>>
      %dma_start3A_99 = arith.constant 0 : i32
      %dma_start3A_100 = tpu.memref_slice %arg4[%arg0, %add3A_71, %dma_start3A_99] : memref<2x10000x128xf32, #tpu.memory_space<hbm>> -> memref<1x48x128xf32, #tpu.memory_space<hbm>>
      %dma_start3A_101 = tpu.memref_squeeze %dma_start3A_100 : memref<1x48x128xf32, #tpu.memory_space<hbm>> -> memref<48x128xf32, #tpu.memory_space<hbm>>
      %dma_start3A_102 = arith.constant 0 : i32
      %dma_start3A_103 = tpu.memref_slice %arg4[%arg0, %add3A_71, %dma_start3A_102] : memref<2x10000x128xf32, #tpu.memory_space<hbm>> -> memref<1x48x128xf32, #tpu.memory_space<hbm>>
      %dma_start3A_104 = tpu.memref_squeeze %dma_start3A_103 : memref<1x48x128xf32, #tpu.memory_space<hbm>> -> memref<48x128xf32, #tpu.memory_space<hbm>>
      tpu.enqueue_dma source(%arg14 : memref<48x128xf32, #tpu.memory_space<vmem>>) target(%dma_start3A_104 : memref<48x128xf32, #tpu.memory_space<hbm>>) target_semaphore(%run_scoped3A : memref<!tpu.dma_semaphore, #tpu.memory_space<semaphore_mem>>)
      %dma_wait3A_105 = arith.constant 0 : i32
      %dma_wait3A_106 = tpu.memref_slice %arg4[%arg0, %add3A_71, %dma_wait3A_105] : memref<2x10000x128xf32, #tpu.memory_space<hbm>> -> memref<1x48x128xf32, #tpu.memory_space<hbm>>
      %dma_wait3A_107 = tpu.memref_squeeze %dma_wait3A_106 : memref<1x48x128xf32, #tpu.memory_space<hbm>> -> memref<48x128xf32, #tpu.memory_space<hbm>>
      %dma_wait3A_108 = arith.constant 0 : i32
      %dma_wait3A_109 = tpu.memref_slice %arg4[%arg0, %add3A_71, %dma_wait3A_108] : memref<2x10000x128xf32, #tpu.memory_space<hbm>> -> memref<1x48x128xf32, #tpu.memory_space<hbm>>
      %dma_wait3A_110 = tpu.memref_squeeze %dma_wait3A_109 : memref<1x48x128xf32, #tpu.memory_space<hbm>> -> memref<48x128xf32, #tpu.memory_space<hbm>>
      tpu.wait_dma2 semaphore(%run_scoped3A : memref<!tpu.dma_semaphore, #tpu.memory_space<semaphore_mem>>) src(%arg14 : memref<48x128xf32, #tpu.memory_space<vmem>>) dst(%dma_wait3A_110 : memref<48x128xf32, #tpu.memory_space<hbm>>)
      tpu.yield
    }) : () -> ()
    %add3A_72 = arith.constant 96 : i32
    %add3A_73 = arith.addi %mul3A_25, %add3A_72 : i32
    "tpu.region"() ({
      %run_scoped3A = tpu.sem_alloc : memref<!tpu.dma_semaphore, #tpu.memory_space<semaphore_mem>>
      %dma_start3A_99 = arith.constant 0 : i32
      %dma_start3A_100 = tpu.memref_slice %arg5[%add3A_73, %dma_start3A_99] : memref<10000x128xf32, #tpu.memory_space<vmem_shared>> -> memref<48x128xf32, #tpu.memory_space<vmem_shared>>
      %dma_start3A_101 = arith.constant 0 : i32
      %dma_start3A_102 = tpu.memref_slice %arg5[%add3A_73, %dma_start3A_101] : memref<10000x128xf32, #tpu.memory_space<vmem_shared>> -> memref<48x128xf32, #tpu.memory_space<vmem_shared>>
      tpu.enqueue_dma source(%dma_start3A_102 : memref<48x128xf32, #tpu.memory_space<vmem_shared>>) target(%arg14 : memref<48x128xf32, #tpu.memory_space<vmem>>) target_semaphore(%run_scoped3A : memref<!tpu.dma_semaphore, #tpu.memory_space<semaphore_mem>>)
      %dma_wait3A_103 = arith.constant 0 : i32
      %dma_wait3A_104 = tpu.memref_slice %arg5[%add3A_73, %dma_wait3A_103] : memref<10000x128xf32, #tpu.memory_space<vmem_shared>> -> memref<48x128xf32, #tpu.memory_space<vmem_shared>>
      %dma_wait3A_105 = arith.constant 0 : i32
      %dma_wait3A_106 = tpu.memref_slice %arg5[%add3A_73, %dma_wait3A_105] : memref<10000x128xf32, #tpu.memory_space<vmem_shared>> -> memref<48x128xf32, #tpu.memory_space<vmem_shared>>
      tpu.wait_dma2 semaphore(%run_scoped3A : memref<!tpu.dma_semaphore, #tpu.memory_space<semaphore_mem>>) src(%dma_wait3A_106 : memref<48x128xf32, #tpu.memory_space<vmem_shared>>) dst(%arg14 : memref<48x128xf32, #tpu.memory_space<vmem>>)
      tpu.yield
    }) : () -> ()
    "tpu.region"() ({
      %run_scoped3A = tpu.sem_alloc : memref<!tpu.dma_semaphore, #tpu.memory_space<semaphore_mem>>
      %dma_start3A_99 = arith.constant 0 : i32
      %dma_start3A_100 = tpu.memref_slice %arg4[%arg0, %add3A_73, %dma_start3A_99] : memref<2x10000x128xf32, #tpu.memory_space<hbm>> -> memref<1x48x128xf32, #tpu.memory_space<hbm>>
      %dma_start3A_101 = tpu.memref_squeeze %dma_start3A_100 : memref<1x48x128xf32, #tpu.memory_space<hbm>> -> memref<48x128xf32, #tpu.memory_space<hbm>>
      %dma_start3A_102 = arith.constant 0 : i32
      %dma_start3A_103 = tpu.memref_slice %arg4[%arg0, %add3A_73, %dma_start3A_102] : memref<2x10000x128xf32, #tpu.memory_space<hbm>> -> memref<1x48x128xf32, #tpu.memory_space<hbm>>
      %dma_start3A_104 = tpu.memref_squeeze %dma_start3A_103 : memref<1x48x128xf32, #tpu.memory_space<hbm>> -> memref<48x128xf32, #tpu.memory_space<hbm>>
      tpu.enqueue_dma source(%arg14 : memref<48x128xf32, #tpu.memory_space<vmem>>) target(%dma_start3A_104 : memref<48x128xf32, #tpu.memory_space<hbm>>) target_semaphore(%run_scoped3A : memref<!tpu.dma_semaphore, #tpu.memory_space<semaphore_mem>>)
      %dma_wait3A_105 = arith.constant 0 : i32
      %dma_wait3A_106 = tpu.memref_slice %arg4[%arg0, %add3A_73, %dma_wait3A_105] : memref<2x10000x128xf32, #tpu.memory_space<hbm>> -> memref<1x48x128xf32, #tpu.memory_space<hbm>>
      %dma_wait3A_107 = tpu.memref_squeeze %dma_wait3A_106 : memref<1x48x128xf32, #tpu.memory_space<hbm>> -> memref<48x128xf32, #tpu.memory_space<hbm>>
      %dma_wait3A_108 = arith.constant 0 : i32
      %dma_wait3A_109 = tpu.memref_slice %arg4[%arg0, %add3A_73, %dma_wait3A_108] : memref<2x10000x128xf32, #tpu.memory_space<hbm>> -> memref<1x48x128xf32, #tpu.memory_space<hbm>>
      %dma_wait3A_110 = tpu.memref_squeeze %dma_wait3A_109 : memref<1x48x128xf32, #tpu.memory_space<hbm>> -> memref<48x128xf32, #tpu.memory_space<hbm>>
      tpu.wait_dma2 semaphore(%run_scoped3A : memref<!tpu.dma_semaphore, #tpu.memory_space<semaphore_mem>>) src(%arg14 : memref<48x128xf32, #tpu.memory_space<vmem>>) dst(%dma_wait3A_110 : memref<48x128xf32, #tpu.memory_space<hbm>>)
      tpu.yield
    }) : () -> ()
    %add3A_74 = arith.constant 144 : i32
    %add3A_75 = arith.addi %mul3A_25, %add3A_74 : i32
    "tpu.region"() ({
      %run_scoped3A = tpu.sem_alloc : memref<!tpu.dma_semaphore, #tpu.memory_space<semaphore_mem>>
      %dma_start3A_99 = arith.constant 0 : i32
      %dma_start3A_100 = tpu.memref_slice %arg5[%add3A_75, %dma_start3A_99] : memref<10000x128xf32, #tpu.memory_space<vmem_shared>> -> memref<48x128xf32, #tpu.memory_space<vmem_shared>>
      %dma_start3A_101 = arith.constant 0 : i32
      %dma_start3A_102 = tpu.memref_slice %arg5[%add3A_75, %dma_start3A_101] : memref<10000x128xf32, #tpu.memory_space<vmem_shared>> -> memref<48x128xf32, #tpu.memory_space<vmem_shared>>
      tpu.enqueue_dma source(%dma_start3A_102 : memref<48x128xf32, #tpu.memory_space<vmem_shared>>) target(%arg14 : memref<48x128xf32, #tpu.memory_space<vmem>>) target_semaphore(%run_scoped3A : memref<!tpu.dma_semaphore, #tpu.memory_space<semaphore_mem>>)
      %dma_wait3A_103 = arith.constant 0 : i32
      %dma_wait3A_104 = tpu.memref_slice %arg5[%add3A_75, %dma_wait3A_103] : memref<10000x128xf32, #tpu.memory_space<vmem_shared>> -> memref<48x128xf32, #tpu.memory_space<vmem_shared>>
      %dma_wait3A_105 = arith.constant 0 : i32
      %dma_wait3A_106 = tpu.memref_slice %arg5[%add3A_75, %dma_wait3A_105] : memref<10000x128xf32, #tpu.memory_space<vmem_shared>> -> memref<48x128xf32, #tpu.memory_space<vmem_shared>>
      tpu.wait_dma2 semaphore(%run_scoped3A : memref<!tpu.dma_semaphore, #tpu.memory_space<semaphore_mem>>) src(%dma_wait3A_106 : memref<48x128xf32, #tpu.memory_space<vmem_shared>>) dst(%arg14 : memref<48x128xf32, #tpu.memory_space<vmem>>)
      tpu.yield
    }) : () -> ()
    "tpu.region"() ({
      %run_scoped3A = tpu.sem_alloc : memref<!tpu.dma_semaphore, #tpu.memory_space<semaphore_mem>>
      %dma_start3A_99 = arith.constant 0 : i32
      %dma_start3A_100 = tpu.memref_slice %arg4[%arg0, %add3A_75, %dma_start3A_99] : memref<2x10000x128xf32, #tpu.memory_space<hbm>> -> memref<1x48x128xf32, #tpu.memory_space<hbm>>
      %dma_start3A_101 = tpu.memref_squeeze %dma_start3A_100 : memref<1x48x128xf32, #tpu.memory_space<hbm>> -> memref<48x128xf32, #tpu.memory_space<hbm>>
      %dma_start3A_102 = arith.constant 0 : i32
      %dma_start3A_103 = tpu.memref_slice %arg4[%arg0, %add3A_75, %dma_start3A_102] : memref<2x10000x128xf32, #tpu.memory_space<hbm>> -> memref<1x48x128xf32, #tpu.memory_space<hbm>>
      %dma_start3A_104 = tpu.memref_squeeze %dma_start3A_103 : memref<1x48x128xf32, #tpu.memory_space<hbm>> -> memref<48x128xf32, #tpu.memory_space<hbm>>
      tpu.enqueue_dma source(%arg14 : memref<48x128xf32, #tpu.memory_space<vmem>>) target(%dma_start3A_104 : memref<48x128xf32, #tpu.memory_space<hbm>>) target_semaphore(%run_scoped3A : memref<!tpu.dma_semaphore, #tpu.memory_space<semaphore_mem>>)
      %dma_wait3A_105 = arith.constant 0 : i32
      %dma_wait3A_106 = tpu.memref_slice %arg4[%arg0, %add3A_75, %dma_wait3A_105] : memref<2x10000x128xf32, #tpu.memory_space<hbm>> -> memref<1x48x128xf32, #tpu.memory_space<hbm>>
      %dma_wait3A_107 = tpu.memref_squeeze %dma_wait3A_106 : memref<1x48x128xf32, #tpu.memory_space<hbm>> -> memref<48x128xf32, #tpu.memory_space<hbm>>
      %dma_wait3A_108 = arith.constant 0 : i32
      %dma_wait3A_109 = tpu.memref_slice %arg4[%arg0, %add3A_75, %dma_wait3A_108] : memref<2x10000x128xf32, #tpu.memory_space<hbm>> -> memref<1x48x128xf32, #tpu.memory_space<hbm>>
      %dma_wait3A_110 = tpu.memref_squeeze %dma_wait3A_109 : memref<1x48x128xf32, #tpu.memory_space<hbm>> -> memref<48x128xf32, #tpu.memory_space<hbm>>
      tpu.wait_dma2 semaphore(%run_scoped3A : memref<!tpu.dma_semaphore, #tpu.memory_space<semaphore_mem>>) src(%arg14 : memref<48x128xf32, #tpu.memory_space<vmem>>) dst(%dma_wait3A_110 : memref<48x128xf32, #tpu.memory_space<hbm>>)
      tpu.yield
    }) : () -> ()
    %add3A_76 = arith.constant 192 : i32
    %add3A_77 = arith.addi %mul3A_25, %add3A_76 : i32
    "tpu.region"() ({
      %run_scoped3A = tpu.sem_alloc : memref<!tpu.dma_semaphore, #tpu.memory_space<semaphore_mem>>
      %dma_start3A_99 = arith.constant 0 : i32
      %dma_start3A_100 = tpu.memref_slice %arg5[%add3A_77, %dma_start3A_99] : memref<10000x128xf32, #tpu.memory_space<vmem_shared>> -> memref<48x128xf32, #tpu.memory_space<vmem_shared>>
      %dma_start3A_101 = arith.constant 0 : i32
      %dma_start3A_102 = tpu.memref_slice %arg5[%add3A_77, %dma_start3A_101] : memref<10000x128xf32, #tpu.memory_space<vmem_shared>> -> memref<48x128xf32, #tpu.memory_space<vmem_shared>>
      tpu.enqueue_dma source(%dma_start3A_102 : memref<48x128xf32, #tpu.memory_space<vmem_shared>>) target(%arg14 : memref<48x128xf32, #tpu.memory_space<vmem>>) target_semaphore(%run_scoped3A : memref<!tpu.dma_semaphore, #tpu.memory_space<semaphore_mem>>)
      %dma_wait3A_103 = arith.constant 0 : i32
      %dma_wait3A_104 = tpu.memref_slice %arg5[%add3A_77, %dma_wait3A_103] : memref<10000x128xf32, #tpu.memory_space<vmem_shared>> -> memref<48x128xf32, #tpu.memory_space<vmem_shared>>
      %dma_wait3A_105 = arith.constant 0 : i32
      %dma_wait3A_106 = tpu.memref_slice %arg5[%add3A_77, %dma_wait3A_105] : memref<10000x128xf32, #tpu.memory_space<vmem_shared>> -> memref<48x128xf32, #tpu.memory_space<vmem_shared>>
      tpu.wait_dma2 semaphore(%run_scoped3A : memref<!tpu.dma_semaphore, #tpu.memory_space<semaphore_mem>>) src(%dma_wait3A_106 : memref<48x128xf32, #tpu.memory_space<vmem_shared>>) dst(%arg14 : memref<48x128xf32, #tpu.memory_space<vmem>>)
      tpu.yield
    }) : () -> ()
    "tpu.region"() ({
      %run_scoped3A = tpu.sem_alloc : memref<!tpu.dma_semaphore, #tpu.memory_space<semaphore_mem>>
      %dma_start3A_99 = arith.constant 0 : i32
      %dma_start3A_100 = tpu.memref_slice %arg4[%arg0, %add3A_77, %dma_start3A_99] : memref<2x10000x128xf32, #tpu.memory_space<hbm>> -> memref<1x48x128xf32, #tpu.memory_space<hbm>>
      %dma_start3A_101 = tpu.memref_squeeze %dma_start3A_100 : memref<1x48x128xf32, #tpu.memory_space<hbm>> -> memref<48x128xf32, #tpu.memory_space<hbm>>
      %dma_start3A_102 = arith.constant 0 : i32
      %dma_start3A_103 = tpu.memref_slice %arg4[%arg0, %add3A_77, %dma_start3A_102] : memref<2x10000x128xf32, #tpu.memory_space<hbm>> -> memref<1x48x128xf32, #tpu.memory_space<hbm>>
      %dma_start3A_104 = tpu.memref_squeeze %dma_start3A_103 : memref<1x48x128xf32, #tpu.memory_space<hbm>> -> memref<48x128xf32, #tpu.memory_space<hbm>>
      tpu.enqueue_dma source(%arg14 : memref<48x128xf32, #tpu.memory_space<vmem>>) target(%dma_start3A_104 : memref<48x128xf32, #tpu.memory_space<hbm>>) target_semaphore(%run_scoped3A : memref<!tpu.dma_semaphore, #tpu.memory_space<semaphore_mem>>)
      %dma_wait3A_105 = arith.constant 0 : i32
      %dma_wait3A_106 = tpu.memref_slice %arg4[%arg0, %add3A_77, %dma_wait3A_105] : memref<2x10000x128xf32, #tpu.memory_space<hbm>> -> memref<1x48x128xf32, #tpu.memory_space<hbm>>
      %dma_wait3A_107 = tpu.memref_squeeze %dma_wait3A_106 : memref<1x48x128xf32, #tpu.memory_space<hbm>> -> memref<48x128xf32, #tpu.memory_space<hbm>>
      %dma_wait3A_108 = arith.constant 0 : i32
      %dma_wait3A_109 = tpu.memref_slice %arg4[%arg0, %add3A_77, %dma_wait3A_108] : memref<2x10000x128xf32, #tpu.memory_space<hbm>> -> memref<1x48x128xf32, #tpu.memory_space<hbm>>
      %dma_wait3A_110 = tpu.memref_squeeze %dma_wait3A_109 : memref<1x48x128xf32, #tpu.memory_space<hbm>> -> memref<48x128xf32, #tpu.memory_space<hbm>>
      tpu.wait_dma2 semaphore(%run_scoped3A : memref<!tpu.dma_semaphore, #tpu.memory_space<semaphore_mem>>) src(%arg14 : memref<48x128xf32, #tpu.memory_space<vmem>>) dst(%dma_wait3A_110 : memref<48x128xf32, #tpu.memory_space<hbm>>)
      tpu.yield
    }) : () -> ()
    %add3A_78 = arith.constant 240 : i32
    %add3A_79 = arith.addi %mul3A_25, %add3A_78 : i32
    "tpu.region"() ({
      %run_scoped3A = tpu.sem_alloc : memref<!tpu.dma_semaphore, #tpu.memory_space<semaphore_mem>>
      %dma_start3A_99 = arith.constant 0 : i32
      %dma_start3A_100 = tpu.memref_slice %arg5[%add3A_79, %dma_start3A_99] : memref<10000x128xf32, #tpu.memory_space<vmem_shared>> -> memref<48x128xf32, #tpu.memory_space<vmem_shared>>
      %dma_start3A_101 = arith.constant 0 : i32
      %dma_start3A_102 = tpu.memref_slice %arg5[%add3A_79, %dma_start3A_101] : memref<10000x128xf32, #tpu.memory_space<vmem_shared>> -> memref<48x128xf32, #tpu.memory_space<vmem_shared>>
      tpu.enqueue_dma source(%dma_start3A_102 : memref<48x128xf32, #tpu.memory_space<vmem_shared>>) target(%arg14 : memref<48x128xf32, #tpu.memory_space<vmem>>) target_semaphore(%run_scoped3A : memref<!tpu.dma_semaphore, #tpu.memory_space<semaphore_mem>>)
      %dma_wait3A_103 = arith.constant 0 : i32
      %dma_wait3A_104 = tpu.memref_slice %arg5[%add3A_79, %dma_wait3A_103] : memref<10000x128xf32, #tpu.memory_space<vmem_shared>> -> memref<48x128xf32, #tpu.memory_space<vmem_shared>>
      %dma_wait3A_105 = arith.constant 0 : i32
      %dma_wait3A_106 = tpu.memref_slice %arg5[%add3A_79, %dma_wait3A_105] : memref<10000x128xf32, #tpu.memory_space<vmem_shared>> -> memref<48x128xf32, #tpu.memory_space<vmem_shared>>
      tpu.wait_dma2 semaphore(%run_scoped3A : memref<!tpu.dma_semaphore, #tpu.memory_space<semaphore_mem>>) src(%dma_wait3A_106 : memref<48x128xf32, #tpu.memory_space<vmem_shared>>) dst(%arg14 : memref<48x128xf32, #tpu.memory_space<vmem>>)
      tpu.yield
    }) : () -> ()
    "tpu.region"() ({
      %run_scoped3A = tpu.sem_alloc : memref<!tpu.dma_semaphore, #tpu.memory_space<semaphore_mem>>
      %dma_start3A_99 = arith.constant 0 : i32
      %dma_start3A_100 = tpu.memref_slice %arg4[%arg0, %add3A_79, %dma_start3A_99] : memref<2x10000x128xf32, #tpu.memory_space<hbm>> -> memref<1x48x128xf32, #tpu.memory_space<hbm>>
      %dma_start3A_101 = tpu.memref_squeeze %dma_start3A_100 : memref<1x48x128xf32, #tpu.memory_space<hbm>> -> memref<48x128xf32, #tpu.memory_space<hbm>>
      %dma_start3A_102 = arith.constant 0 : i32
      %dma_start3A_103 = tpu.memref_slice %arg4[%arg0, %add3A_79, %dma_start3A_102] : memref<2x10000x128xf32, #tpu.memory_space<hbm>> -> memref<1x48x128xf32, #tpu.memory_space<hbm>>
      %dma_start3A_104 = tpu.memref_squeeze %dma_start3A_103 : memref<1x48x128xf32, #tpu.memory_space<hbm>> -> memref<48x128xf32, #tpu.memory_space<hbm>>
      tpu.enqueue_dma source(%arg14 : memref<48x128xf32, #tpu.memory_space<vmem>>) target(%dma_start3A_104 : memref<48x128xf32, #tpu.memory_space<hbm>>) target_semaphore(%run_scoped3A : memref<!tpu.dma_semaphore, #tpu.memory_space<semaphore_mem>>)
      %dma_wait3A_105 = arith.constant 0 : i32
      %dma_wait3A_106 = tpu.memref_slice %arg4[%arg0, %add3A_79, %dma_wait3A_105] : memref<2x10000x128xf32, #tpu.memory_space<hbm>> -> memref<1x48x128xf32, #tpu.memory_space<hbm>>
      %dma_wait3A_107 = tpu.memref_squeeze %dma_wait3A_106 : memref<1x48x128xf32, #tpu.memory_space<hbm>> -> memref<48x128xf32, #tpu.memory_space<hbm>>
      %dma_wait3A_108 = arith.constant 0 : i32
      %dma_wait3A_109 = tpu.memref_slice %arg4[%arg0, %add3A_79, %dma_wait3A_108] : memref<2x10000x128xf32, #tpu.memory_space<hbm>> -> memref<1x48x128xf32, #tpu.memory_space<hbm>>
      %dma_wait3A_110 = tpu.memref_squeeze %dma_wait3A_109 : memref<1x48x128xf32, #tpu.memory_space<hbm>> -> memref<48x128xf32, #tpu.memory_space<hbm>>
      tpu.wait_dma2 semaphore(%run_scoped3A : memref<!tpu.dma_semaphore, #tpu.memory_space<semaphore_mem>>) src(%arg14 : memref<48x128xf32, #tpu.memory_space<vmem>>) dst(%dma_wait3A_110 : memref<48x128xf32, #tpu.memory_space<hbm>>)
      tpu.yield
    }) : () -> ()
    %add3A_80 = arith.constant 288 : i32
    %add3A_81 = arith.addi %mul3A_25, %add3A_80 : i32
    "tpu.region"() ({
      %run_scoped3A = tpu.sem_alloc : memref<!tpu.dma_semaphore, #tpu.memory_space<semaphore_mem>>
      %dma_start3A_99 = arith.constant 0 : i32
      %dma_start3A_100 = tpu.memref_slice %arg5[%add3A_81, %dma_start3A_99] : memref<10000x128xf32, #tpu.memory_space<vmem_shared>> -> memref<48x128xf32, #tpu.memory_space<vmem_shared>>
      %dma_start3A_101 = arith.constant 0 : i32
      %dma_start3A_102 = tpu.memref_slice %arg5[%add3A_81, %dma_start3A_101] : memref<10000x128xf32, #tpu.memory_space<vmem_shared>> -> memref<48x128xf32, #tpu.memory_space<vmem_shared>>
      tpu.enqueue_dma source(%dma_start3A_102 : memref<48x128xf32, #tpu.memory_space<vmem_shared>>) target(%arg14 : memref<48x128xf32, #tpu.memory_space<vmem>>) target_semaphore(%run_scoped3A : memref<!tpu.dma_semaphore, #tpu.memory_space<semaphore_mem>>)
      %dma_wait3A_103 = arith.constant 0 : i32
      %dma_wait3A_104 = tpu.memref_slice %arg5[%add3A_81, %dma_wait3A_103] : memref<10000x128xf32, #tpu.memory_space<vmem_shared>> -> memref<48x128xf32, #tpu.memory_space<vmem_shared>>
      %dma_wait3A_105 = arith.constant 0 : i32
      %dma_wait3A_106 = tpu.memref_slice %arg5[%add3A_81, %dma_wait3A_105] : memref<10000x128xf32, #tpu.memory_space<vmem_shared>> -> memref<48x128xf32, #tpu.memory_space<vmem_shared>>
      tpu.wait_dma2 semaphore(%run_scoped3A : memref<!tpu.dma_semaphore, #tpu.memory_space<semaphore_mem>>) src(%dma_wait3A_106 : memref<48x128xf32, #tpu.memory_space<vmem_shared>>) dst(%arg14 : memref<48x128xf32, #tpu.memory_space<vmem>>)
      tpu.yield
    }) : () -> ()
    "tpu.region"() ({
      %run_scoped3A = tpu.sem_alloc : memref<!tpu.dma_semaphore, #tpu.memory_space<semaphore_mem>>
      %dma_start3A_99 = arith.constant 0 : i32
      %dma_start3A_100 = tpu.memref_slice %arg4[%arg0, %add3A_81, %dma_start3A_99] : memref<2x10000x128xf32, #tpu.memory_space<hbm>> -> memref<1x48x128xf32, #tpu.memory_space<hbm>>
      %dma_start3A_101 = tpu.memref_squeeze %dma_start3A_100 : memref<1x48x128xf32, #tpu.memory_space<hbm>> -> memref<48x128xf32, #tpu.memory_space<hbm>>
      %dma_start3A_102 = arith.constant 0 : i32
      %dma_start3A_103 = tpu.memref_slice %arg4[%arg0, %add3A_81, %dma_start3A_102] : memref<2x10000x128xf32, #tpu.memory_space<hbm>> -> memref<1x48x128xf32, #tpu.memory_space<hbm>>
      %dma_start3A_104 = tpu.memref_squeeze %dma_start3A_103 : memref<1x48x128xf32, #tpu.memory_space<hbm>> -> memref<48x128xf32, #tpu.memory_space<hbm>>
      tpu.enqueue_dma source(%arg14 : memref<48x128xf32, #tpu.memory_space<vmem>>) target(%dma_start3A_104 : memref<48x128xf32, #tpu.memory_space<hbm>>) target_semaphore(%run_scoped3A : memref<!tpu.dma_semaphore, #tpu.memory_space<semaphore_mem>>)
      %dma_wait3A_105 = arith.constant 0 : i32
      %dma_wait3A_106 = tpu.memref_slice %arg4[%arg0, %add3A_81, %dma_wait3A_105] : memref<2x10000x128xf32, #tpu.memory_space<hbm>> -> memref<1x48x128xf32, #tpu.memory_space<hbm>>
      %dma_wait3A_107 = tpu.memref_squeeze %dma_wait3A_106 : memref<1x48x128xf32, #tpu.memory_space<hbm>> -> memref<48x128xf32, #tpu.memory_space<hbm>>
      %dma_wait3A_108 = arith.constant 0 : i32
      %dma_wait3A_109 = tpu.memref_slice %arg4[%arg0, %add3A_81, %dma_wait3A_108] : memref<2x10000x128xf32, #tpu.memory_space<hbm>> -> memref<1x48x128xf32, #tpu.memory_space<hbm>>
      %dma_wait3A_110 = tpu.memref_squeeze %dma_wait3A_109 : memref<1x48x128xf32, #tpu.memory_space<hbm>> -> memref<48x128xf32, #tpu.memory_space<hbm>>
      tpu.wait_dma2 semaphore(%run_scoped3A : memref<!tpu.dma_semaphore, #tpu.memory_space<semaphore_mem>>) src(%arg14 : memref<48x128xf32, #tpu.memory_space<vmem>>) dst(%dma_wait3A_110 : memref<48x128xf32, #tpu.memory_space<hbm>>)
      tpu.yield
    }) : () -> ()
    %add3A_82 = arith.constant 336 : i32
    %add3A_83 = arith.addi %mul3A_25, %add3A_82 : i32
    "tpu.region"() ({
      %run_scoped3A = tpu.sem_alloc : memref<!tpu.dma_semaphore, #tpu.memory_space<semaphore_mem>>
      %dma_start3A_99 = arith.constant 0 : i32
      %dma_start3A_100 = tpu.memref_slice %arg5[%add3A_83, %dma_start3A_99] : memref<10000x128xf32, #tpu.memory_space<vmem_shared>> -> memref<48x128xf32, #tpu.memory_space<vmem_shared>>
      %dma_start3A_101 = arith.constant 0 : i32
      %dma_start3A_102 = tpu.memref_slice %arg5[%add3A_83, %dma_start3A_101] : memref<10000x128xf32, #tpu.memory_space<vmem_shared>> -> memref<48x128xf32, #tpu.memory_space<vmem_shared>>
      tpu.enqueue_dma source(%dma_start3A_102 : memref<48x128xf32, #tpu.memory_space<vmem_shared>>) target(%arg14 : memref<48x128xf32, #tpu.memory_space<vmem>>) target_semaphore(%run_scoped3A : memref<!tpu.dma_semaphore, #tpu.memory_space<semaphore_mem>>)
      %dma_wait3A_103 = arith.constant 0 : i32
      %dma_wait3A_104 = tpu.memref_slice %arg5[%add3A_83, %dma_wait3A_103] : memref<10000x128xf32, #tpu.memory_space<vmem_shared>> -> memref<48x128xf32, #tpu.memory_space<vmem_shared>>
      %dma_wait3A_105 = arith.constant 0 : i32
      %dma_wait3A_106 = tpu.memref_slice %arg5[%add3A_83, %dma_wait3A_105] : memref<10000x128xf32, #tpu.memory_space<vmem_shared>> -> memref<48x128xf32, #tpu.memory_space<vmem_shared>>
      tpu.wait_dma2 semaphore(%run_scoped3A : memref<!tpu.dma_semaphore, #tpu.memory_space<semaphore_mem>>) src(%dma_wait3A_106 : memref<48x128xf32, #tpu.memory_space<vmem_shared>>) dst(%arg14 : memref<48x128xf32, #tpu.memory_space<vmem>>)
      tpu.yield
    }) : () -> ()
    "tpu.region"() ({
      %run_scoped3A = tpu.sem_alloc : memref<!tpu.dma_semaphore, #tpu.memory_space<semaphore_mem>>
      %dma_start3A_99 = arith.constant 0 : i32
      %dma_start3A_100 = tpu.memref_slice %arg4[%arg0, %add3A_83, %dma_start3A_99] : memref<2x10000x128xf32, #tpu.memory_space<hbm>> -> memref<1x48x128xf32, #tpu.memory_space<hbm>>
      %dma_start3A_101 = tpu.memref_squeeze %dma_start3A_100 : memref<1x48x128xf32, #tpu.memory_space<hbm>> -> memref<48x128xf32, #tpu.memory_space<hbm>>
      %dma_start3A_102 = arith.constant 0 : i32
      %dma_start3A_103 = tpu.memref_slice %arg4[%arg0, %add3A_83, %dma_start3A_102] : memref<2x10000x128xf32, #tpu.memory_space<hbm>> -> memref<1x48x128xf32, #tpu.memory_space<hbm>>
      %dma_start3A_104 = tpu.memref_squeeze %dma_start3A_103 : memref<1x48x128xf32, #tpu.memory_space<hbm>> -> memref<48x128xf32, #tpu.memory_space<hbm>>
      tpu.enqueue_dma source(%arg14 : memref<48x128xf32, #tpu.memory_space<vmem>>) target(%dma_start3A_104 : memref<48x128xf32, #tpu.memory_space<hbm>>) target_semaphore(%run_scoped3A : memref<!tpu.dma_semaphore, #tpu.memory_space<semaphore_mem>>)
      %dma_wait3A_105 = arith.constant 0 : i32
      %dma_wait3A_106 = tpu.memref_slice %arg4[%arg0, %add3A_83, %dma_wait3A_105] : memref<2x10000x128xf32, #tpu.memory_space<hbm>> -> memref<1x48x128xf32, #tpu.memory_space<hbm>>
      %dma_wait3A_107 = tpu.memref_squeeze %dma_wait3A_106 : memref<1x48x128xf32, #tpu.memory_space<hbm>> -> memref<48x128xf32, #tpu.memory_space<hbm>>
      %dma_wait3A_108 = arith.constant 0 : i32
      %dma_wait3A_109 = tpu.memref_slice %arg4[%arg0, %add3A_83, %dma_wait3A_108] : memref<2x10000x128xf32, #tpu.memory_space<hbm>> -> memref<1x48x128xf32, #tpu.memory_space<hbm>>
      %dma_wait3A_110 = tpu.memref_squeeze %dma_wait3A_109 : memref<1x48x128xf32, #tpu.memory_space<hbm>> -> memref<48x128xf32, #tpu.memory_space<hbm>>
      tpu.wait_dma2 semaphore(%run_scoped3A : memref<!tpu.dma_semaphore, #tpu.memory_space<semaphore_mem>>) src(%arg14 : memref<48x128xf32, #tpu.memory_space<vmem>>) dst(%dma_wait3A_110 : memref<48x128xf32, #tpu.memory_space<hbm>>)
      tpu.yield
    }) : () -> ()
    %add3A_84 = arith.constant 384 : i32
    %add3A_85 = arith.addi %mul3A_25, %add3A_84 : i32
    "tpu.region"() ({
      %run_scoped3A = tpu.sem_alloc : memref<!tpu.dma_semaphore, #tpu.memory_space<semaphore_mem>>
      %dma_start3A_99 = arith.constant 0 : i32
      %dma_start3A_100 = tpu.memref_slice %arg5[%add3A_85, %dma_start3A_99] : memref<10000x128xf32, #tpu.memory_space<vmem_shared>> -> memref<48x128xf32, #tpu.memory_space<vmem_shared>>
      %dma_start3A_101 = arith.constant 0 : i32
      %dma_start3A_102 = tpu.memref_slice %arg5[%add3A_85, %dma_start3A_101] : memref<10000x128xf32, #tpu.memory_space<vmem_shared>> -> memref<48x128xf32, #tpu.memory_space<vmem_shared>>
      tpu.enqueue_dma source(%dma_start3A_102 : memref<48x128xf32, #tpu.memory_space<vmem_shared>>) target(%arg14 : memref<48x128xf32, #tpu.memory_space<vmem>>) target_semaphore(%run_scoped3A : memref<!tpu.dma_semaphore, #tpu.memory_space<semaphore_mem>>)
      %dma_wait3A_103 = arith.constant 0 : i32
      %dma_wait3A_104 = tpu.memref_slice %arg5[%add3A_85, %dma_wait3A_103] : memref<10000x128xf32, #tpu.memory_space<vmem_shared>> -> memref<48x128xf32, #tpu.memory_space<vmem_shared>>
      %dma_wait3A_105 = arith.constant 0 : i32
      %dma_wait3A_106 = tpu.memref_slice %arg5[%add3A_85, %dma_wait3A_105] : memref<10000x128xf32, #tpu.memory_space<vmem_shared>> -> memref<48x128xf32, #tpu.memory_space<vmem_shared>>
      tpu.wait_dma2 semaphore(%run_scoped3A : memref<!tpu.dma_semaphore, #tpu.memory_space<semaphore_mem>>) src(%dma_wait3A_106 : memref<48x128xf32, #tpu.memory_space<vmem_shared>>) dst(%arg14 : memref<48x128xf32, #tpu.memory_space<vmem>>)
      tpu.yield
    }) : () -> ()
    "tpu.region"() ({
      %run_scoped3A = tpu.sem_alloc : memref<!tpu.dma_semaphore, #tpu.memory_space<semaphore_mem>>
      %dma_start3A_99 = arith.constant 0 : i32
      %dma_start3A_100 = tpu.memref_slice %arg4[%arg0, %add3A_85, %dma_start3A_99] : memref<2x10000x128xf32, #tpu.memory_space<hbm>> -> memref<1x48x128xf32, #tpu.memory_space<hbm>>
      %dma_start3A_101 = tpu.memref_squeeze %dma_start3A_100 : memref<1x48x128xf32, #tpu.memory_space<hbm>> -> memref<48x128xf32, #tpu.memory_space<hbm>>
      %dma_start3A_102 = arith.constant 0 : i32
      %dma_start3A_103 = tpu.memref_slice %arg4[%arg0, %add3A_85, %dma_start3A_102] : memref<2x10000x128xf32, #tpu.memory_space<hbm>> -> memref<1x48x128xf32, #tpu.memory_space<hbm>>
      %dma_start3A_104 = tpu.memref_squeeze %dma_start3A_103 : memref<1x48x128xf32, #tpu.memory_space<hbm>> -> memref<48x128xf32, #tpu.memory_space<hbm>>
      tpu.enqueue_dma source(%arg14 : memref<48x128xf32, #tpu.memory_space<vmem>>) target(%dma_start3A_104 : memref<48x128xf32, #tpu.memory_space<hbm>>) target_semaphore(%run_scoped3A : memref<!tpu.dma_semaphore, #tpu.memory_space<semaphore_mem>>)
      %dma_wait3A_105 = arith.constant 0 : i32
      %dma_wait3A_106 = tpu.memref_slice %arg4[%arg0, %add3A_85, %dma_wait3A_105] : memref<2x10000x128xf32, #tpu.memory_space<hbm>> -> memref<1x48x128xf32, #tpu.memory_space<hbm>>
      %dma_wait3A_107 = tpu.memref_squeeze %dma_wait3A_106 : memref<1x48x128xf32, #tpu.memory_space<hbm>> -> memref<48x128xf32, #tpu.memory_space<hbm>>
      %dma_wait3A_108 = arith.constant 0 : i32
      %dma_wait3A_109 = tpu.memref_slice %arg4[%arg0, %add3A_85, %dma_wait3A_108] : memref<2x10000x128xf32, #tpu.memory_space<hbm>> -> memref<1x48x128xf32, #tpu.memory_space<hbm>>
      %dma_wait3A_110 = tpu.memref_squeeze %dma_wait3A_109 : memref<1x48x128xf32, #tpu.memory_space<hbm>> -> memref<48x128xf32, #tpu.memory_space<hbm>>
      tpu.wait_dma2 semaphore(%run_scoped3A : memref<!tpu.dma_semaphore, #tpu.memory_space<semaphore_mem>>) src(%arg14 : memref<48x128xf32, #tpu.memory_space<vmem>>) dst(%dma_wait3A_110 : memref<48x128xf32, #tpu.memory_space<hbm>>)
      tpu.yield
    }) : () -> ()
    %add3A_86 = arith.constant 432 : i32
    %add3A_87 = arith.addi %mul3A_25, %add3A_86 : i32
    "tpu.region"() ({
      %run_scoped3A = tpu.sem_alloc : memref<!tpu.dma_semaphore, #tpu.memory_space<semaphore_mem>>
      %dma_start3A_99 = arith.constant 0 : i32
      %dma_start3A_100 = tpu.memref_slice %arg5[%add3A_87, %dma_start3A_99] : memref<10000x128xf32, #tpu.memory_space<vmem_shared>> -> memref<48x128xf32, #tpu.memory_space<vmem_shared>>
      %dma_start3A_101 = arith.constant 0 : i32
      %dma_start3A_102 = tpu.memref_slice %arg5[%add3A_87, %dma_start3A_101] : memref<10000x128xf32, #tpu.memory_space<vmem_shared>> -> memref<48x128xf32, #tpu.memory_space<vmem_shared>>
      tpu.enqueue_dma source(%dma_start3A_102 : memref<48x128xf32, #tpu.memory_space<vmem_shared>>) target(%arg14 : memref<48x128xf32, #tpu.memory_space<vmem>>) target_semaphore(%run_scoped3A : memref<!tpu.dma_semaphore, #tpu.memory_space<semaphore_mem>>)
      %dma_wait3A_103 = arith.constant 0 : i32
      %dma_wait3A_104 = tpu.memref_slice %arg5[%add3A_87, %dma_wait3A_103] : memref<10000x128xf32, #tpu.memory_space<vmem_shared>> -> memref<48x128xf32, #tpu.memory_space<vmem_shared>>
      %dma_wait3A_105 = arith.constant 0 : i32
      %dma_wait3A_106 = tpu.memref_slice %arg5[%add3A_87, %dma_wait3A_105] : memref<10000x128xf32, #tpu.memory_space<vmem_shared>> -> memref<48x128xf32, #tpu.memory_space<vmem_shared>>
      tpu.wait_dma2 semaphore(%run_scoped3A : memref<!tpu.dma_semaphore, #tpu.memory_space<semaphore_mem>>) src(%dma_wait3A_106 : memref<48x128xf32, #tpu.memory_space<vmem_shared>>) dst(%arg14 : memref<48x128xf32, #tpu.memory_space<vmem>>)
      tpu.yield
    }) : () -> ()
    "tpu.region"() ({
      %run_scoped3A = tpu.sem_alloc : memref<!tpu.dma_semaphore, #tpu.memory_space<semaphore_mem>>
      %dma_start3A_99 = arith.constant 0 : i32
      %dma_start3A_100 = tpu.memref_slice %arg4[%arg0, %add3A_87, %dma_start3A_99] : memref<2x10000x128xf32, #tpu.memory_space<hbm>> -> memref<1x48x128xf32, #tpu.memory_space<hbm>>
      %dma_start3A_101 = tpu.memref_squeeze %dma_start3A_100 : memref<1x48x128xf32, #tpu.memory_space<hbm>> -> memref<48x128xf32, #tpu.memory_space<hbm>>
      %dma_start3A_102 = arith.constant 0 : i32
      %dma_start3A_103 = tpu.memref_slice %arg4[%arg0, %add3A_87, %dma_start3A_102] : memref<2x10000x128xf32, #tpu.memory_space<hbm>> -> memref<1x48x128xf32, #tpu.memory_space<hbm>>
      %dma_start3A_104 = tpu.memref_squeeze %dma_start3A_103 : memref<1x48x128xf32, #tpu.memory_space<hbm>> -> memref<48x128xf32, #tpu.memory_space<hbm>>
      tpu.enqueue_dma source(%arg14 : memref<48x128xf32, #tpu.memory_space<vmem>>) target(%dma_start3A_104 : memref<48x128xf32, #tpu.memory_space<hbm>>) target_semaphore(%run_scoped3A : memref<!tpu.dma_semaphore, #tpu.memory_space<semaphore_mem>>)
      %dma_wait3A_105 = arith.constant 0 : i32
      %dma_wait3A_106 = tpu.memref_slice %arg4[%arg0, %add3A_87, %dma_wait3A_105] : memref<2x10000x128xf32, #tpu.memory_space<hbm>> -> memref<1x48x128xf32, #tpu.memory_space<hbm>>
      %dma_wait3A_107 = tpu.memref_squeeze %dma_wait3A_106 : memref<1x48x128xf32, #tpu.memory_space<hbm>> -> memref<48x128xf32, #tpu.memory_space<hbm>>
      %dma_wait3A_108 = arith.constant 0 : i32
      %dma_wait3A_109 = tpu.memref_slice %arg4[%arg0, %add3A_87, %dma_wait3A_108] : memref<2x10000x128xf32, #tpu.memory_space<hbm>> -> memref<1x48x128xf32, #tpu.memory_space<hbm>>
      %dma_wait3A_110 = tpu.memref_squeeze %dma_wait3A_109 : memref<1x48x128xf32, #tpu.memory_space<hbm>> -> memref<48x128xf32, #tpu.memory_space<hbm>>
      tpu.wait_dma2 semaphore(%run_scoped3A : memref<!tpu.dma_semaphore, #tpu.memory_space<semaphore_mem>>) src(%arg14 : memref<48x128xf32, #tpu.memory_space<vmem>>) dst(%dma_wait3A_110 : memref<48x128xf32, #tpu.memory_space<hbm>>)
      tpu.yield
    }) : () -> ()
    %add3A_88 = arith.constant 480 : i32
    %add3A_89 = arith.addi %mul3A_25, %add3A_88 : i32
    "tpu.region"() ({
      %run_scoped3A = tpu.sem_alloc : memref<!tpu.dma_semaphore, #tpu.memory_space<semaphore_mem>>
      %dma_start3A_99 = arith.constant 0 : i32
      %dma_start3A_100 = tpu.memref_slice %arg5[%add3A_89, %dma_start3A_99] : memref<10000x128xf32, #tpu.memory_space<vmem_shared>> -> memref<48x128xf32, #tpu.memory_space<vmem_shared>>
      %dma_start3A_101 = arith.constant 0 : i32
      %dma_start3A_102 = tpu.memref_slice %arg5[%add3A_89, %dma_start3A_101] : memref<10000x128xf32, #tpu.memory_space<vmem_shared>> -> memref<48x128xf32, #tpu.memory_space<vmem_shared>>
      tpu.enqueue_dma source(%dma_start3A_102 : memref<48x128xf32, #tpu.memory_space<vmem_shared>>) target(%arg14 : memref<48x128xf32, #tpu.memory_space<vmem>>) target_semaphore(%run_scoped3A : memref<!tpu.dma_semaphore, #tpu.memory_space<semaphore_mem>>)
      %dma_wait3A_103 = arith.constant 0 : i32
      %dma_wait3A_104 = tpu.memref_slice %arg5[%add3A_89, %dma_wait3A_103] : memref<10000x128xf32, #tpu.memory_space<vmem_shared>> -> memref<48x128xf32, #tpu.memory_space<vmem_shared>>
      %dma_wait3A_105 = arith.constant 0 : i32
      %dma_wait3A_106 = tpu.memref_slice %arg5[%add3A_89, %dma_wait3A_105] : memref<10000x128xf32, #tpu.memory_space<vmem_shared>> -> memref<48x128xf32, #tpu.memory_space<vmem_shared>>
      tpu.wait_dma2 semaphore(%run_scoped3A : memref<!tpu.dma_semaphore, #tpu.memory_space<semaphore_mem>>) src(%dma_wait3A_106 : memref<48x128xf32, #tpu.memory_space<vmem_shared>>) dst(%arg14 : memref<48x128xf32, #tpu.memory_space<vmem>>)
      tpu.yield
    }) : () -> ()
    "tpu.region"() ({
      %run_scoped3A = tpu.sem_alloc : memref<!tpu.dma_semaphore, #tpu.memory_space<semaphore_mem>>
      %dma_start3A_99 = arith.constant 0 : i32
      %dma_start3A_100 = tpu.memref_slice %arg4[%arg0, %add3A_89, %dma_start3A_99] : memref<2x10000x128xf32, #tpu.memory_space<hbm>> -> memref<1x48x128xf32, #tpu.memory_space<hbm>>
      %dma_start3A_101 = tpu.memref_squeeze %dma_start3A_100 : memref<1x48x128xf32, #tpu.memory_space<hbm>> -> memref<48x128xf32, #tpu.memory_space<hbm>>
      %dma_start3A_102 = arith.constant 0 : i32
      %dma_start3A_103 = tpu.memref_slice %arg4[%arg0, %add3A_89, %dma_start3A_102] : memref<2x10000x128xf32, #tpu.memory_space<hbm>> -> memref<1x48x128xf32, #tpu.memory_space<hbm>>
      %dma_start3A_104 = tpu.memref_squeeze %dma_start3A_103 : memref<1x48x128xf32, #tpu.memory_space<hbm>> -> memref<48x128xf32, #tpu.memory_space<hbm>>
      tpu.enqueue_dma source(%arg14 : memref<48x128xf32, #tpu.memory_space<vmem>>) target(%dma_start3A_104 : memref<48x128xf32, #tpu.memory_space<hbm>>) target_semaphore(%run_scoped3A : memref<!tpu.dma_semaphore, #tpu.memory_space<semaphore_mem>>)
      %dma_wait3A_105 = arith.constant 0 : i32
      %dma_wait3A_106 = tpu.memref_slice %arg4[%arg0, %add3A_89, %dma_wait3A_105] : memref<2x10000x128xf32, #tpu.memory_space<hbm>> -> memref<1x48x128xf32, #tpu.memory_space<hbm>>
      %dma_wait3A_107 = tpu.memref_squeeze %dma_wait3A_106 : memref<1x48x128xf32, #tpu.memory_space<hbm>> -> memref<48x128xf32, #tpu.memory_space<hbm>>
      %dma_wait3A_108 = arith.constant 0 : i32
      %dma_wait3A_109 = tpu.memref_slice %arg4[%arg0, %add3A_89, %dma_wait3A_108] : memref<2x10000x128xf32, #tpu.memory_space<hbm>> -> memref<1x48x128xf32, #tpu.memory_space<hbm>>
      %dma_wait3A_110 = tpu.memref_squeeze %dma_wait3A_109 : memref<1x48x128xf32, #tpu.memory_space<hbm>> -> memref<48x128xf32, #tpu.memory_space<hbm>>
      tpu.wait_dma2 semaphore(%run_scoped3A : memref<!tpu.dma_semaphore, #tpu.memory_space<semaphore_mem>>) src(%arg14 : memref<48x128xf32, #tpu.memory_space<vmem>>) dst(%dma_wait3A_110 : memref<48x128xf32, #tpu.memory_space<hbm>>)
      tpu.yield
    }) : () -> ()
    %add3A_90 = arith.constant 528 : i32
    %add3A_91 = arith.addi %mul3A_25, %add3A_90 : i32
    "tpu.region"() ({
      %run_scoped3A = tpu.sem_alloc : memref<!tpu.dma_semaphore, #tpu.memory_space<semaphore_mem>>
      %dma_start3A_99 = arith.constant 0 : i32
      %dma_start3A_100 = tpu.memref_slice %arg5[%add3A_91, %dma_start3A_99] : memref<10000x128xf32, #tpu.memory_space<vmem_shared>> -> memref<48x128xf32, #tpu.memory_space<vmem_shared>>
      %dma_start3A_101 = arith.constant 0 : i32
      %dma_start3A_102 = tpu.memref_slice %arg5[%add3A_91, %dma_start3A_101] : memref<10000x128xf32, #tpu.memory_space<vmem_shared>> -> memref<48x128xf32, #tpu.memory_space<vmem_shared>>
      tpu.enqueue_dma source(%dma_start3A_102 : memref<48x128xf32, #tpu.memory_space<vmem_shared>>) target(%arg14 : memref<48x128xf32, #tpu.memory_space<vmem>>) target_semaphore(%run_scoped3A : memref<!tpu.dma_semaphore, #tpu.memory_space<semaphore_mem>>)
      %dma_wait3A_103 = arith.constant 0 : i32
      %dma_wait3A_104 = tpu.memref_slice %arg5[%add3A_91, %dma_wait3A_103] : memref<10000x128xf32, #tpu.memory_space<vmem_shared>> -> memref<48x128xf32, #tpu.memory_space<vmem_shared>>
      %dma_wait3A_105 = arith.constant 0 : i32
      %dma_wait3A_106 = tpu.memref_slice %arg5[%add3A_91, %dma_wait3A_105] : memref<10000x128xf32, #tpu.memory_space<vmem_shared>> -> memref<48x128xf32, #tpu.memory_space<vmem_shared>>
      tpu.wait_dma2 semaphore(%run_scoped3A : memref<!tpu.dma_semaphore, #tpu.memory_space<semaphore_mem>>) src(%dma_wait3A_106 : memref<48x128xf32, #tpu.memory_space<vmem_shared>>) dst(%arg14 : memref<48x128xf32, #tpu.memory_space<vmem>>)
      tpu.yield
    }) : () -> ()
    "tpu.region"() ({
      %run_scoped3A = tpu.sem_alloc : memref<!tpu.dma_semaphore, #tpu.memory_space<semaphore_mem>>
      %dma_start3A_99 = arith.constant 0 : i32
      %dma_start3A_100 = tpu.memref_slice %arg4[%arg0, %add3A_91, %dma_start3A_99] : memref<2x10000x128xf32, #tpu.memory_space<hbm>> -> memref<1x48x128xf32, #tpu.memory_space<hbm>>
      %dma_start3A_101 = tpu.memref_squeeze %dma_start3A_100 : memref<1x48x128xf32, #tpu.memory_space<hbm>> -> memref<48x128xf32, #tpu.memory_space<hbm>>
      %dma_start3A_102 = arith.constant 0 : i32
      %dma_start3A_103 = tpu.memref_slice %arg4[%arg0, %add3A_91, %dma_start3A_102] : memref<2x10000x128xf32, #tpu.memory_space<hbm>> -> memref<1x48x128xf32, #tpu.memory_space<hbm>>
      %dma_start3A_104 = tpu.memref_squeeze %dma_start3A_103 : memref<1x48x128xf32, #tpu.memory_space<hbm>> -> memref<48x128xf32, #tpu.memory_space<hbm>>
      tpu.enqueue_dma source(%arg14 : memref<48x128xf32, #tpu.memory_space<vmem>>) target(%dma_start3A_104 : memref<48x128xf32, #tpu.memory_space<hbm>>) target_semaphore(%run_scoped3A : memref<!tpu.dma_semaphore, #tpu.memory_space<semaphore_mem>>)
      %dma_wait3A_105 = arith.constant 0 : i32
      %dma_wait3A_106 = tpu.memref_slice %arg4[%arg0, %add3A_91, %dma_wait3A_105] : memref<2x10000x128xf32, #tpu.memory_space<hbm>> -> memref<1x48x128xf32, #tpu.memory_space<hbm>>
      %dma_wait3A_107 = tpu.memref_squeeze %dma_wait3A_106 : memref<1x48x128xf32, #tpu.memory_space<hbm>> -> memref<48x128xf32, #tpu.memory_space<hbm>>
      %dma_wait3A_108 = arith.constant 0 : i32
      %dma_wait3A_109 = tpu.memref_slice %arg4[%arg0, %add3A_91, %dma_wait3A_108] : memref<2x10000x128xf32, #tpu.memory_space<hbm>> -> memref<1x48x128xf32, #tpu.memory_space<hbm>>
      %dma_wait3A_110 = tpu.memref_squeeze %dma_wait3A_109 : memref<1x48x128xf32, #tpu.memory_space<hbm>> -> memref<48x128xf32, #tpu.memory_space<hbm>>
      tpu.wait_dma2 semaphore(%run_scoped3A : memref<!tpu.dma_semaphore, #tpu.memory_space<semaphore_mem>>) src(%arg14 : memref<48x128xf32, #tpu.memory_space<vmem>>) dst(%dma_wait3A_110 : memref<48x128xf32, #tpu.memory_space<hbm>>)
      tpu.yield
    }) : () -> ()
    %add3A_92 = arith.constant 576 : i32
    %add3A_93 = arith.addi %mul3A_25, %add3A_92 : i32
    "tpu.region"() ({
      %run_scoped3A = tpu.sem_alloc : memref<!tpu.dma_semaphore, #tpu.memory_space<semaphore_mem>>
      %dma_start3A_99 = arith.constant 0 : i32
      %dma_start3A_100 = tpu.memref_slice %arg5[%add3A_93, %dma_start3A_99] : memref<10000x128xf32, #tpu.memory_space<vmem_shared>> -> memref<48x128xf32, #tpu.memory_space<vmem_shared>>
      %dma_start3A_101 = arith.constant 0 : i32
      %dma_start3A_102 = tpu.memref_slice %arg5[%add3A_93, %dma_start3A_101] : memref<10000x128xf32, #tpu.memory_space<vmem_shared>> -> memref<48x128xf32, #tpu.memory_space<vmem_shared>>
      tpu.enqueue_dma source(%dma_start3A_102 : memref<48x128xf32, #tpu.memory_space<vmem_shared>>) target(%arg14 : memref<48x128xf32, #tpu.memory_space<vmem>>) target_semaphore(%run_scoped3A : memref<!tpu.dma_semaphore, #tpu.memory_space<semaphore_mem>>)
      %dma_wait3A_103 = arith.constant 0 : i32
      %dma_wait3A_104 = tpu.memref_slice %arg5[%add3A_93, %dma_wait3A_103] : memref<10000x128xf32, #tpu.memory_space<vmem_shared>> -> memref<48x128xf32, #tpu.memory_space<vmem_shared>>
      %dma_wait3A_105 = arith.constant 0 : i32
      %dma_wait3A_106 = tpu.memref_slice %arg5[%add3A_93, %dma_wait3A_105] : memref<10000x128xf32, #tpu.memory_space<vmem_shared>> -> memref<48x128xf32, #tpu.memory_space<vmem_shared>>
      tpu.wait_dma2 semaphore(%run_scoped3A : memref<!tpu.dma_semaphore, #tpu.memory_space<semaphore_mem>>) src(%dma_wait3A_106 : memref<48x128xf32, #tpu.memory_space<vmem_shared>>) dst(%arg14 : memref<48x128xf32, #tpu.memory_space<vmem>>)
      tpu.yield
    }) : () -> ()
    "tpu.region"() ({
      %run_scoped3A = tpu.sem_alloc : memref<!tpu.dma_semaphore, #tpu.memory_space<semaphore_mem>>
      %dma_start3A_99 = arith.constant 0 : i32
      %dma_start3A_100 = tpu.memref_slice %arg4[%arg0, %add3A_93, %dma_start3A_99] : memref<2x10000x128xf32, #tpu.memory_space<hbm>> -> memref<1x48x128xf32, #tpu.memory_space<hbm>>
      %dma_start3A_101 = tpu.memref_squeeze %dma_start3A_100 : memref<1x48x128xf32, #tpu.memory_space<hbm>> -> memref<48x128xf32, #tpu.memory_space<hbm>>
      %dma_start3A_102 = arith.constant 0 : i32
      %dma_start3A_103 = tpu.memref_slice %arg4[%arg0, %add3A_93, %dma_start3A_102] : memref<2x10000x128xf32, #tpu.memory_space<hbm>> -> memref<1x48x128xf32, #tpu.memory_space<hbm>>
      %dma_start3A_104 = tpu.memref_squeeze %dma_start3A_103 : memref<1x48x128xf32, #tpu.memory_space<hbm>> -> memref<48x128xf32, #tpu.memory_space<hbm>>
      tpu.enqueue_dma source(%arg14 : memref<48x128xf32, #tpu.memory_space<vmem>>) target(%dma_start3A_104 : memref<48x128xf32, #tpu.memory_space<hbm>>) target_semaphore(%run_scoped3A : memref<!tpu.dma_semaphore, #tpu.memory_space<semaphore_mem>>)
      %dma_wait3A_105 = arith.constant 0 : i32
      %dma_wait3A_106 = tpu.memref_slice %arg4[%arg0, %add3A_93, %dma_wait3A_105] : memref<2x10000x128xf32, #tpu.memory_space<hbm>> -> memref<1x48x128xf32, #tpu.memory_space<hbm>>
      %dma_wait3A_107 = tpu.memref_squeeze %dma_wait3A_106 : memref<1x48x128xf32, #tpu.memory_space<hbm>> -> memref<48x128xf32, #tpu.memory_space<hbm>>
      %dma_wait3A_108 = arith.constant 0 : i32
      %dma_wait3A_109 = tpu.memref_slice %arg4[%arg0, %add3A_93, %dma_wait3A_108] : memref<2x10000x128xf32, #tpu.memory_space<hbm>> -> memref<1x48x128xf32, #tpu.memory_space<hbm>>
      %dma_wait3A_110 = tpu.memref_squeeze %dma_wait3A_109 : memref<1x48x128xf32, #tpu.memory_space<hbm>> -> memref<48x128xf32, #tpu.memory_space<hbm>>
      tpu.wait_dma2 semaphore(%run_scoped3A : memref<!tpu.dma_semaphore, #tpu.memory_space<semaphore_mem>>) src(%arg14 : memref<48x128xf32, #tpu.memory_space<vmem>>) dst(%dma_wait3A_110 : memref<48x128xf32, #tpu.memory_space<hbm>>)
      tpu.yield
    }) : () -> ()
    %eq3A_94 = arith.constant 15 : i32
    %eq3A_95 = arith.cmpi eq, %arg1, %eq3A_94 : i32
    %convert_element_type3A_96 = arith.extui %eq3A_95 : i1 to i32
    %cond3A_97 = arith.constant 0 : i32
    %cond3A_98 = arith.cmpi ne, %convert_element_type3A_96, %cond3A_97 : i32
    scf.if %cond3A_98 {
      "tpu.region"() ({
        %run_scoped3A = tpu.sem_alloc : memref<!tpu.dma_semaphore, #tpu.memory_space<semaphore_mem>>
        %dma_start3A_99 = arith.constant 0 : i32
        %dma_start3A_100 = arith.constant 0 : i32
        %dma_start3A_101 = tpu.memref_slice %arg14[%dma_start3A_99, %dma_start3A_100] : memref<48x128xf32, #tpu.memory_space<vmem>> -> memref<16x128xf32, #tpu.memory_space<vmem>>
        %dma_start3A_102 = arith.constant 9984 : i32
        %dma_start3A_103 = arith.constant 0 : i32
        %dma_start3A_104 = tpu.memref_slice %arg5[%dma_start3A_102, %dma_start3A_103] : memref<10000x128xf32, #tpu.memory_space<vmem_shared>> -> memref<16x128xf32, #tpu.memory_space<vmem_shared>>
        %dma_start3A_105 = arith.constant 0 : i32
        %dma_start3A_106 = arith.constant 0 : i32
        %dma_start3A_107 = tpu.memref_slice %arg14[%dma_start3A_105, %dma_start3A_106] : memref<48x128xf32, #tpu.memory_space<vmem>> -> memref<16x128xf32, #tpu.memory_space<vmem>>
        %dma_start3A_108 = arith.constant 9984 : i32
        %dma_start3A_109 = arith.constant 0 : i32
        %dma_start3A_110 = tpu.memref_slice %arg5[%dma_start3A_108, %dma_start3A_109] : memref<10000x128xf32, #tpu.memory_space<vmem_shared>> -> memref<16x128xf32, #tpu.memory_space<vmem_shared>>
        tpu.enqueue_dma source(%dma_start3A_110 : memref<16x128xf32, #tpu.memory_space<vmem_shared>>) target(%dma_start3A_107 : memref<16x128xf32, #tpu.memory_space<vmem>>) target_semaphore(%run_scoped3A : memref<!tpu.dma_semaphore, #tpu.memory_space<semaphore_mem>>)
        %dma_wait3A_111 = arith.constant 0 : i32
        %dma_wait3A_112 = arith.constant 0 : i32
        %dma_wait3A_113 = tpu.memref_slice %arg14[%dma_wait3A_111, %dma_wait3A_112] : memref<48x128xf32, #tpu.memory_space<vmem>> -> memref<16x128xf32, #tpu.memory_space<vmem>>
        %dma_wait3A_114 = arith.constant 9984 : i32
        %dma_wait3A_115 = arith.constant 0 : i32
        %dma_wait3A_116 = tpu.memref_slice %arg5[%dma_wait3A_114, %dma_wait3A_115] : memref<10000x128xf32, #tpu.memory_space<vmem_shared>> -> memref<16x128xf32, #tpu.memory_space<vmem_shared>>
        %dma_wait3A_117 = arith.constant 0 : i32
        %dma_wait3A_118 = arith.constant 0 : i32
        %dma_wait3A_119 = tpu.memref_slice %arg14[%dma_wait3A_117, %dma_wait3A_118] : memref<48x128xf32, #tpu.memory_space<vmem>> -> memref<16x128xf32, #tpu.memory_space<vmem>>
        %dma_wait3A_120 = arith.constant 9984 : i32
        %dma_wait3A_121 = arith.constant 0 : i32
        %dma_wait3A_122 = tpu.memref_slice %arg5[%dma_wait3A_120, %dma_wait3A_121] : memref<10000x128xf32, #tpu.memory_space<vmem_shared>> -> memref<16x128xf32, #tpu.memory_space<vmem_shared>>
        tpu.wait_dma2 semaphore(%run_scoped3A : memref<!tpu.dma_semaphore, #tpu.memory_space<semaphore_mem>>) src(%dma_wait3A_122 : memref<16x128xf32, #tpu.memory_space<vmem_shared>>) dst(%dma_wait3A_119 : memref<16x128xf32, #tpu.memory_space<vmem>>)
        tpu.yield
      }) : () -> ()
      "tpu.region"() ({
        %run_scoped3A = tpu.sem_alloc : memref<!tpu.dma_semaphore, #tpu.memory_space<semaphore_mem>>
        %dma_start3A_99 = arith.constant 0 : i32
        %dma_start3A_100 = arith.constant 0 : i32
        %dma_start3A_101 = tpu.memref_slice %arg14[%dma_start3A_99, %dma_start3A_100] : memref<48x128xf32, #tpu.memory_space<vmem>> -> memref<16x128xf32, #tpu.memory_space<vmem>>
        %dma_start3A_102 = arith.constant 9984 : i32
        %dma_start3A_103 = arith.constant 0 : i32
        %dma_start3A_104 = tpu.memref_slice %arg4[%arg0, %dma_start3A_102, %dma_start3A_103] : memref<2x10000x128xf32, #tpu.memory_space<hbm>> -> memref<1x16x128xf32, #tpu.memory_space<hbm>>
        %dma_start3A_105 = tpu.memref_squeeze %dma_start3A_104 : memref<1x16x128xf32, #tpu.memory_space<hbm>> -> memref<16x128xf32, #tpu.memory_space<hbm>>
        %dma_start3A_106 = arith.constant 9984 : i32
        %dma_start3A_107 = arith.constant 0 : i32
        %dma_start3A_108 = tpu.memref_slice %arg4[%arg0, %dma_start3A_106, %dma_start3A_107] : memref<2x10000x128xf32, #tpu.memory_space<hbm>> -> memref<1x16x128xf32, #tpu.memory_space<hbm>>
        %dma_start3A_109 = tpu.memref_squeeze %dma_start3A_108 : memref<1x16x128xf32, #tpu.memory_space<hbm>> -> memref<16x128xf32, #tpu.memory_space<hbm>>
        %dma_start3A_110 = arith.constant 0 : i32
        %dma_start3A_111 = arith.constant 0 : i32
        %dma_start3A_112 = tpu.memref_slice %arg14[%dma_start3A_110, %dma_start3A_111] : memref<48x128xf32, #tpu.memory_space<vmem>> -> memref<16x128xf32, #tpu.memory_space<vmem>>
        tpu.enqueue_dma source(%dma_start3A_112 : memref<16x128xf32, #tpu.memory_space<vmem>>) target(%dma_start3A_109 : memref<16x128xf32, #tpu.memory_space<hbm>>) target_semaphore(%run_scoped3A : memref<!tpu.dma_semaphore, #tpu.memory_space<semaphore_mem>>)
        %dma_wait3A_113 = arith.constant 0 : i32
        %dma_wait3A_114 = arith.constant 0 : i32
        %dma_wait3A_115 = tpu.memref_slice %arg14[%dma_wait3A_113, %dma_wait3A_114] : memref<48x128xf32, #tpu.memory_space<vmem>> -> memref<16x128xf32, #tpu.memory_space<vmem>>
        %dma_wait3A_116 = arith.constant 9984 : i32
        %dma_wait3A_117 = arith.constant 0 : i32
        %dma_wait3A_118 = tpu.memref_slice %arg4[%arg0, %dma_wait3A_116, %dma_wait3A_117] : memref<2x10000x128xf32, #tpu.memory_space<hbm>> -> memref<1x16x128xf32, #tpu.memory_space<hbm>>
        %dma_wait3A_119 = tpu.memref_squeeze %dma_wait3A_118 : memref<1x16x128xf32, #tpu.memory_space<hbm>> -> memref<16x128xf32, #tpu.memory_space<hbm>>
        %dma_wait3A_120 = arith.constant 9984 : i32
        %dma_wait3A_121 = arith.constant 0 : i32
        %dma_wait3A_122 = tpu.memref_slice %arg4[%arg0, %dma_wait3A_120, %dma_wait3A_121] : memref<2x10000x128xf32, #tpu.memory_space<hbm>> -> memref<1x16x128xf32, #tpu.memory_space<hbm>>
        %dma_wait3A_123 = tpu.memref_squeeze %dma_wait3A_122 : memref<1x16x128xf32, #tpu.memory_space<hbm>> -> memref<16x128xf32, #tpu.memory_space<hbm>>
        %dma_wait3A_124 = arith.constant 0 : i32
        %dma_wait3A_125 = arith.constant 0 : i32
        %dma_wait3A_126 = tpu.memref_slice %arg14[%dma_wait3A_124, %dma_wait3A_125] : memref<48x128xf32, #tpu.memory_space<vmem>> -> memref<16x128xf32, #tpu.memory_space<vmem>>
        tpu.wait_dma2 semaphore(%run_scoped3A : memref<!tpu.dma_semaphore, #tpu.memory_space<semaphore_mem>>) src(%dma_wait3A_126 : memref<16x128xf32, #tpu.memory_space<vmem>>) dst(%dma_wait3A_123 : memref<16x128xf32, #tpu.memory_space<hbm>>)
        tpu.yield
      }) : () -> ()
    } else {
    }
    return
  }
}

module attributes {stable_mosaic.version = 14 : i64} {
  func.func @body(%arg0: i32, %arg1: memref<2x1000x128xf32, #tpu.memory_space<vmem>>, %arg2: memref<1000x128xf32, #tpu.memory_space<vmem>>) attributes {dimension_semantics = [#tpu.dimension_semantics<arbitrary>], iteration_bounds = array<i64: 10>, scalar_prefetch = 0 : i64, scratch_operands = 0 : i64, tpu.core_type = #tpu.core_type<tc>, window_params = [{transform_indices = @transform_0, window_bounds = array<i64: 2, 1000, 128>}, {transform_indices = @transform_1, window_bounds = array<i64: 1000, 128>}]} {
    %get3A = arith.constant 0 : index
    %get3A_0 = arith.constant 0 : index
    %get3A_1 = arith.constant 0 : index
    %get3A_2 = vector.load %arg1[%get3A, %get3A_0, %get3A_1] : memref<2x1000x128xf32, #tpu.memory_space<vmem>>, vector<1x1000x128xf32>
    %get3A_3 = vector.shape_cast %get3A_2 : vector<1x1000x128xf32> to vector<1000x128xf32>
    %get3A_4 = arith.constant 1 : index
    %get3A_5 = arith.constant 0 : index
    %get3A_6 = arith.constant 0 : index
    %get3A_7 = vector.load %arg1[%get3A_4, %get3A_5, %get3A_6] : memref<2x1000x128xf32, #tpu.memory_space<vmem>>, vector<1x1000x128xf32>
    %get3A_8 = vector.shape_cast %get3A_7 : vector<1x1000x128xf32> to vector<1000x128xf32>
    %add3A = arith.addf %get3A_3, %get3A_8 : vector<1000x128xf32>
    %swap3A = arith.constant 0 : index
    %swap3A_9 = arith.constant 0 : index
    %swap3A_10 = vector.load %arg2[%swap3A, %swap3A_9] : memref<1000x128xf32, #tpu.memory_space<vmem>>, vector<1000x128xf32>
    tpu.vector_store %arg2[%swap3A, %swap3A_9], %add3A {strides = array<i32>} : memref<1000x128xf32, #tpu.memory_space<vmem>>, vector<1000x128xf32>,
    return
  }
  func.func @transform_0(%arg0: i32) -> (i32, i32, i32) {
    %c0_i32 = arith.constant 0 : i32
    %c0_i32_0 = arith.constant 0 : i32
    %c0_i32_1 = arith.constant 0 : i32
    return %c0_i32, %arg0, %c0_i32_0 : i32, i32, i32
  }
  func.func @transform_1(%arg0: i32) -> (i32, i32) {
    %c0_i32 = arith.constant 0 : i32
    %c0_i32_0 = arith.constant 0 : i32
    return %arg0, %c0_i32 : i32, i32
  }
}

</mosaic_0001>

<sc_bundles>
// kernel: kernel.4.cloned.1.call-start
scs
__scs_entry_jumppad:
0x0: {  	(pc) =	sbr.rel $0x88, $3  }
0x1: {  	(tag) =	ssettag $0x0;
	lr =	simm.s32 $0x1  }
0x2: {  	[smem:$0x3F9F] =	sst lr;
	_ =	strace $0xD0000000  }
0x3: {  	_ = 	snop  }
0x4: {  	_ = 	snop  }
0x5: {  	_ = 	snop  }
0x6: {  	_ = 	snop  }
0x7: {  	_ = 	snop  }
__scs_overlays_trampoline_lowered:
0x8: {  	[smem:$0x3FAE] =	sst s0  }
0x9: {  	[smem:$0x3FAF] =	sst s1  }
0xa: {  	[smem:$0x3FB0] =	sst s2  }
0xb: {  	[smem:$0x3FB1] =	sst s3  }
0xc: {  	[smem:$0x3FB2] =	sst s4  }
0xd: {  	[smem:$0x3FB3] =	sst s5  }
0xe: {  	[smem:$0x3FB4] =	sst s6  }
0xf: {  	[smem:$0x3FB5] =	sst s7  }
0x10: {  	[smem:$0x3FB6] =	sst s8  }
0x11: {  	[smem:$0x3FB7] =	sst s9;
	s0 =	simm.s32 @!p0 $0x0  }
0x12: {  	s1 =	sld [smem:$0x3F9D];
	s0 =	simm.s32 @p0 $0x1  }
0x13: {  	[smem:$0x3FB8] =	sst s0;
	s0 =	simm.s32 @!p1 $0x0  }
0x14: {  	s2 =	sld [smem:$0x3F9C];
	s0 =	simm.s32 @p1 $0x1  }
0x15: {  	[smem:$0x3FB9] =	sst s0;
	s0 =	simm.s32 @!p2 $0x0  }
0x16: {  	s3 =	sld [smem:$0x3FDB];
	s0 =	simm.s32 @p2 $0x1  }
0x17: {  	s4 =	simm.s32 $0x1BF5;
	[smem:$0x3FBB] =	sst s0  }
0x18: {  	s0 =	sld [smem:$0x3F9E];
	_ =	swait.ge [sflag:s4], $0x0  }
0x19: {  	s7 =	sld [smem:$0x3F9F]  }
0x1a: {  	s8 =	sadd.s32 $0xFFFFE003, lr  }
0x1b: {  	s9 =	sadd.s32 $0xFFFFFEF7, lr;
	s5 =	simm.s32 $0xFFFFFFFF;
	p2 =	slt.u32 s8, $0xFFFFF086  }
0x1c: {  	p1 =	slt.u32 s9, $0xF7A;
	s5 =	simm.s32 @!p2 $0x0  }
0x1d: {  	s5 =	simm.s32 @p1 $0x1;
	p0 =	seq.s32 s7, s2  }
0x1e: {  	s7 =	smul.u32 @!p0 $0xF7A, s2;
	p2 =	seq.s32 @!p0 s5, $0x0  }
0x1f: {  	s9 =	smul.u32 $0xF7A, s1;
	s8 =	simm.s32 @!p0 $0x1BF5;
	p2 =	por !p2, p0  }
0x20: {  	[sflag:s8] =	ssyncset.s32 @!p0 $0xFFFFF086;
	s6 =	sadd.s32 @!p0 s3, s7;
	s7 =	simm.s32 @!p0 $0x108  }
0x21: {  	s3 =	sadd.s32 s3, s9;
	s6 =	sadd.s32 @!p0 $0x88, s6;
	s7 =	simm.s32 @p2 $0x1082  }
0x22: {  	[simem:s7], [sflag:s8] =	dma.local @!p0 [hbm:s6], $0xF7A  }
0x23: {  	s9 =	sor.u32 $0xD0000000, s2;
	s6 =	simm.s32 $0x108;
	_ =	swait.ge @!p0 [sflag:s8], $0x0  }
0x24: {  	s3 =	sadd.s32 $0x88, s3;
	s6 =	simm.s32 @!p1 $0x1082;
	[sflag:s4] =	ssyncset.s32 $0xFFFFF086  }
0x25: {  	[simem:s6], [sflag:s4] =	dma.local [hbm:s3], $0xF7A  }
0x26: {  	[smem:$0x3F9F] =	sst s1;
	(tag) =	ssettag s2;
	_ =	strace s9  }
0x27: {  	s1 =	sld [smem:$0x3FAF]  }
0x28: {  	s2 =	sld [smem:$0x3FB0]  }
0x29: {  	s4 =	sld [smem:$0x3FB2]  }
0x2a: {  	p0 =	seq.s32 s5, $0x0;
	s5 =	sld [smem:$0x3FB3]  }
0x2b: {  	s6 =	sld [smem:$0x3FB4]  }
0x2c: {  	s7 =	sld [smem:$0x3FB5]  }
0x2d: {  	s3 =	simm.s32 $0x108;
	s8 =	sld [smem:$0x3FB6]  }
0x2e: {  	s3 =	simm.s32 @!p0 $0x1082;
	s9 =	sld [smem:$0x3FB7]  }
0x2f: {  	lr =	sadd.s32 s0, s3;
	s0 =	sld [smem:$0x3FAE]  }
0x30: {  	s3 =	sld [smem:$0x3FB1]  }
0x31: {  	[smem:$0x3FBA] =	sst s10  }
0x32: {  	s10 =	sld [smem:$0x3FB8];
	_ =	sdelay $0x3  }
0x33: {  	p0 =	seq.s32 s10, $0x1;
	s10 =	sld [smem:$0x3FBA];
	_ =	sdelay $0x3  }
0x34: {  	[smem:$0x3FBA] =	sst s10  }
0x35: {  	s10 =	sld [smem:$0x3FB9];
	_ =	sdelay $0x3  }
0x36: {  	p1 =	seq.s32 s10, $0x1;
	s10 =	sld [smem:$0x3FBA];
	_ =	sdelay $0x3  }
0x37: {  	[smem:$0x3FBA] =	sst s10  }
0x38: {  	s10 =	sld [smem:$0x3FBB]  }
0x39: {  	_ = 	snop;
	(pc) =	sbr.ind lr, $3  }
0x3a: {  	_ = 	snop  }
0x3b: {  	_ = 	snop  }
0x3c: {  	p2 =	seq.s32 s10, $0x1;
	s10 =	sld [smem:$0x3FBA]  }
0x3d: {  	_ =	shalt  }
0x3e: {  	_ =	shalt  }
0x3f: {  	_ =	shalt  }
0x40: {  	_ =	shalt  }
0x41: {  	_ =	shalt  }
0x42: {  	_ =	shalt  }
0x43: {  	_ =	shalt  }
0x44: {  	_ =	shalt  }
0x45: {  	_ =	shalt  }
0x46: {  	_ =	shalt  }
0x47: {  	_ =	shalt  }
0x48: {  	_ =	shalt  }
0x49: {  	_ =	shalt  }
0x4a: {  	_ =	shalt  }
0x4b: {  	_ =	shalt  }
0x4c: {  	_ =	shalt  }
0x4d: {  	_ =	shalt  }
0x4e: {  	_ =	shalt  }
0x4f: {  	_ =	shalt  }
0x50: {  	_ =	shalt  }
0x51: {  	_ =	shalt  }
0x52: {  	_ =	shalt  }
0x53: {  	_ =	shalt  }
0x54: {  	_ =	shalt  }
0x55: {  	_ =	shalt  }
0x56: {  	_ =	shalt  }
0x57: {  	_ =	shalt  }
0x58: {  	_ =	shalt  }
0x59: {  	_ =	shalt  }
0x5a: {  	_ =	shalt  }
0x5b: {  	_ =	shalt  }
0x5c: {  	_ =	shalt  }
0x5d: {  	_ =	shalt  }
0x5e: {  	_ =	shalt  }
0x5f: {  	_ =	shalt  }
0x60: {  	_ =	shalt  }
0x61: {  	_ =	shalt  }
0x62: {  	_ =	shalt  }
0x63: {  	_ =	shalt  }
0x64: {  	_ =	shalt  }
0x65: {  	_ =	shalt  }
0x66: {  	_ =	shalt  }
0x67: {  	_ =	shalt  }
0x68: {  	_ =	shalt  }
0x69: {  	_ =	shalt  }
0x6a: {  	_ =	shalt  }
0x6b: {  	_ =	shalt  }
0x6c: {  	_ =	shalt  }
0x6d: {  	_ =	shalt  }
0x6e: {  	_ =	shalt  }
0x6f: {  	_ =	shalt  }
0x70: {  	_ =	shalt  }
0x71: {  	_ =	shalt  }
0x72: {  	_ =	shalt  }
0x73: {  	_ =	shalt  }
0x74: {  	_ =	shalt  }
0x75: {  	_ =	shalt  }
0x76: {  	_ =	shalt  }
0x77: {  	_ =	shalt  }
0x78: {  	_ =	shalt  }
0x79: {  	_ =	shalt  }
0x7a: {  	_ =	shalt  }
0x7b: {  	_ =	shalt  }
0x7c: {  	_ =	shalt  }
0x7d: {  	_ =	shalt  }
0x7e: {  	_ =	shalt  }
0x7f: {  	_ =	shalt  }
0x80: {  	_ =	shalt  }
0x81: {  	_ =	shalt  }
0x82: {  	_ =	shalt  }
0x83: {  	_ =	shalt  }
0x84: {  	_ =	shalt  }
0x85: {  	_ =	shalt  }
0x86: {  	_ =	shalt  }
0x87: {  	_ =	shalt  }
.Lfunc_end0:
.L_simem_size_0:
called_computation_lowered:
.L_overlay_start_0:
0x88: {  	s2 =	sld [smem:$0x3FD9]  }
0x89: {  	s3 =	sld [smem:$0x3FFE];
	_ =	sdelay $0x1  }
0x8a: {  	s1 =	srdreg.scid  }
0x8b: {  	s0 =	sand.u32 $0x1, s1  }
0x8c: {  	s17 =	sshll.u32 s0, $0xA;
	s2 =	sadd.s32 s3, s2  }
0x8d: {  	s2 =	sadd.s32 s2, s17  }
0x8e: {  	[smem:$0x3FC6] =	sst s2  }
0x8f: {  	_ = 	snop  }
0x90: {  	s2 =	sld [smem:$0x3FC9]  }
0x91: {  	s18 =	sld [smem:$0x3FC8];
	(tm) =	ssettm $0x1  }
0x92: {  	s4 =	sld [smem:$0x3FFB];
	_ =	sdelay $0x3  }
0x93: {  	_ =	strace s4  }
0x94: {  	s4 =	sld [smem:$0x3FFC];
	_ =	sdelay $0x3  }
0x95: {  	_ =	strace s4  }
0x96: {  	s4 =	sld [smem:$0x3FFD];
	_ =	sdelay $0x3  }
0x97: {  	_ =	strace s4  }
0x98: {  	_ =	strace $0x8FFFFFFF  }
0x99: {  	s19 =	sld [smem:$0x3FDB];
	_ =	sdelay $0x1  }
0x9a: {  	s5 =	simm.s32 $_scs_section_size  }
0x9b: {  	s6 =	simm.s32 $_size__tile_overlayer_lowered;
	s7 =	simm.s32 $_tile_overlayer_lowered  }
0x9c: {  	s22 =	simm.s32 $0x1BFF;
	s21 =	sshll.u32 s7, $0x1;
	s4 =	sadd.s32 s5, s19  }
0x9d: {  	s8 =	simm.s32 $0x0;
	s20 =	sshll.u32 s6, $0x1;
	s6 =	sadd.s32 s21, s4  }
0x9e: {  	[timem:s8], [sflag:s22] =	dma.local [hbm:s6], s20  }
0x9f: {  	_ =	swait.ge [sflag:s22], s20  }
0xa0: {  	s5 =	ssub.s32 $0x0, s20;
	[sflag:s22] =	ssyncset.done $0x0  }
0xa1: {  	[sflag:s22] =	ssyncadd.s32 s5;
	_ =	sdelay $0x1  }
0xa2: {  	s23 =	simm.s32 $0x1B8B  }
0xa3: {  	_ =	swait.ge [sflag:s23], $0x1  }
0xa4: {  	[sflag:s23] =	ssyncset.done $0x0  }
0xa5: {  	s25 =	simm.s32 $0x1B8E;
	s24 =	sld [smem:$0x3FFE];
	[sflag:s23] =	ssyncadd.s32 $0xFFFFFFFF  }
0xa6: {  	s26 =	simm.s32 $execute0_lowered;
	[smem:$0x3FD2] =	sst s25  }
0xa7: {  	s6 =	sshll.u32 s26, $0x1;
	_ =	strace $0x80000046;
	[dreg:$0x1] =	wrdreg $0xFFFFFFFF  }
0xa8: {  	s28 =	simm.s32 $_size_execute0_lowered;
	s4 =	sadd.s32 s4, s6;
	[dreg:$0x0] =	wrdreg $0x0  }
0xa9: {  	s6 =	sshll.u32 s28, $0x1;
	[dreg:$0x2] =	wrdreg s4  }
0xaa: {  	[dreg:$0x3] =	wrdreg s6  }
0xab: {  	[dreg:$0x4] =	wrdreg $0xC0  }
0xac: {  	_ =	task [dreg:s8], $0x5FFFF  }
0xad: {  	[dreg:$0x1] =	wrdreg $0xFFFFFFFF  }
0xae: {  	[dreg:$0x0] =	wrdreg $0x60  }
0xaf: {  	[dreg:$0x2] =	wrdreg s2  }
0xb0: {  	[dreg:$0x3] =	wrdreg s18  }
0xb1: {  	[dreg:$0x4] =	wrdreg s24  }
0xb2: {  	[dreg:$0x5] =	wrdreg $0x0  }
0xb3: {  	[dreg:$0x6] =	wrdreg $0x9  }
0xb4: {  	_ =	task.clear_ibuf [dreg:s8], $0x7FFFF;
	_ =	strace $0x90000046  }
0xb5: {  	s29 =	simm.s32 $0x9;
	_ =	strace $0x80000048  }
0xb6: {  	_ =	swait.ge [sflag:s29], $0x1  }
0xb7: {  	[sflag:s29] =	ssyncadd.s32 $0xFFFFFFFF  }
0xb8: {  	_ =	strace $0x90000048  }
0xb9: {  	_ =	sfence  }
0xba: {  	s30 =	sld [smem:$0x0];
	_ =	sdelay $0x2  }
0xbb: {  	s31 =	sshll.u32 s1, $0xD;
	s1 =	sshrl.u32 s1, $0x2  }
0xbc: {  	s3 =	sand.u32 $0x4000, s31;
	s1 =	sadd.s32 s1, s30  }
0xbd: {  	s0 =	sor.u32 s3, s0;
	s1 =	sshll.u32 s1, $0x11  }
0xbe: {  	s0 =	sor.u32 s1, s0  }
0xbf: {  	s0 =	sadd.s32 $0x8F2B, s0  }
0xc0: {  	[sflag:s0] =	ssyncadd.remote.s32 $0x1  }
0xc1: {  	_ =	sfence.sel $0xFFFF  }
0xc2: {  	[dreg:$0x0] =	wrdreg $0xFFFFFFFF;
	(pc) =	sbr.abs _section_cstart, $3  }
0xc3: {  	[dreg:$0x1] =	wrdreg $0xFFFFFFFF  }
0xc4: {  	_ =	task.clear_ibuf [dreg:s8], $0x2FFFF;
	_ =	strace $0x9FFFFFFF  }
0xc5: {  	(tm) =	ssettm $0x7FFFFFFF  }
tec
execute0_lowered:
.L_overlay_start_1:
0x0: {  	(tag) =	ssettag $0x1  }
0x1: {  	s23 =	stileid.u32  }
0x2: {  	s0 =	srdreg.scid;
	s4 =	smul.u32 $0x2710, s23  }
0x3: {  	s15 =	sand.u32 $0x1, s0;
	s14 =	smul.u32 $0x13800, s23  }
0x4: {  	s2 =	rddreg [dreg:$0x2];
	s1 =	simm.s32 $0x0;
	s0 =	smul.u32 $0x27100, s15  }
0x5: {  	[smem:$0x7FF] =	sst s1;
	s16 =	sadd.s32 $0x600, s2;
	s17 =	smul.u32 $0x138800, s15  }
0x6: {  	p0 =	sne.s32 s23, $0xF;
	s3 =	ssub.s32 $0x2, s15;
	s15 =	smul.u32 $0x271000, s15  }
0x7: {  	s5 =	sshrl.u32 s3, $0x1;
	s2 =	sadd.s32 $0x3000, s14;
	s7 =	sadd.s32 $0x7800, s14  }
0x8: {  	s8 =	sadd.s32 $0x9000, s14;
	s9 =	sadd.s32 $0xA800, s14;
	s10 =	sadd.s32 $0xC000, s14  }
0x9: {  	s11 =	sadd.s32 $0xD800, s14;
	s12 =	sadd.s32 $0xF000, s14;
	s13 =	sadd.s32 $0x10800, s14  }
0xa: {  	s6 =	ssub.s32 s3, s5;
	s5 =	sadd.s32 s4, s0;
	s0 =	sadd.s32 $0x1800, s14  }
0xb: {  	s3 =	sadd.s32 $0x4800, s14;
	s4 =	sadd.s32 $0x6000, s14;
	s18 =	sadd.s32 s14, s17  }
0xc: {  	s14 =	sadd.s32 $0x12000, s14;
	s19 =	sadd.s32 s17, s2;
	s18 =	sshrl.u32 s18, $0x3  }
0xd: {  	s26 =	sadd.s32 s17, s7;
	s20 =	sadd.s32 s17, s0;
	s18 =	sadd.s32 s16, s18  }
0xe: {  	s31 =	sadd.s32 s17, s8;
	[dreg:$0x5] =	wrdreg s18;
	s18 =	sshrl.u32 s20, $0x3  }
0xf: {  	s21 =	sshrl.u32 s19, $0x3;
	s20 =	sadd.s32 s17, s3;
	s18 =	sadd.s32 s16, s18  }
0x10: {  	s25 =	sadd.s32 s17, s4;
	s22 =	sshrl.u32 s20, $0x3;
	[dreg:$0x6] =	wrdreg s18  }
0x11: {  	s18 =	sadd.s32 s16, s21;
	s24 =	sadd.s32 s16, s22;
	s21 =	sshrl.u32 s26, $0x3  }
0x12: {  	s22 =	sshrl.u32 s31, $0x3;
	s26 =	sadd.s32 s17, s10;
	[dreg:$0x7] =	wrdreg s18  }
0x13: {  	s31 =	sadd.s32 s17, s11;
	[dreg:$0x8] =	wrdreg s24;
	s18 =	sshrl.u32 s25, $0x3  }
0x14: {  	s24 =	sadd.s32 s16, s22;
	s25 =	sadd.s32 s17, s9;
	s22 =	sshrl.u32 s31, $0x3  }
0x15: {  	s31 =	sadd.s32 s17, s14;
	s18 =	sadd.s32 s16, s18;
	[dreg:$0xb] =	wrdreg s24  }
0x16: {  	s24 =	sadd.s32 s16, s22;
	s22 =	sshrl.u32 s31, $0x3;
	[dreg:$0x9] =	wrdreg s18  }
0x17: {  	s31 =	sadd.s32 $0x50, s5;
	s18 =	sadd.s32 s16, s21;
	[dreg:$0xe] =	wrdreg s24  }
0x18: {  	s21 =	sshrl.u32 s26, $0x3;
	s24 =	sadd.s32 s16, s22;
	s22 =	rddreg [dreg:$0x3]  }
0x19: {  	s26 =	sadd.s32 s17, s13;
	[dreg:$0xa] =	wrdreg s18;
	s18 =	sshrl.u32 s25, $0x3  }
0x1a: {  	s25 =	sadd.s32 s17, s12;
	[dreg:$0x11] =	wrdreg s24;
	s17 =	sshrl.u32 s17, $0x3  }
0x1b: {  	s24 =	sshll.u32 s31, $0x4;
	s28 =	sadd.s32 s0, s22;
	s18 =	sadd.s32 s16, s18  }
0x1c: {  	s29 =	sadd.s32 s2, s22;
	[dreg:$0xc] =	wrdreg s18;
	s18 =	sadd.s32 s16, s21  }
0x1d: {  	s30 =	sadd.s32 s3, s22;
	[dreg:$0xd] =	wrdreg s18;
	s18 =	sshrl.u32 s25, $0x3  }
0x1e: {  	s2 =	sadd.s32 s4, s22;
	s25 =	rddreg [dreg:$0x0];
	s18 =	sadd.s32 s16, s18  }
0x1f: {  	s21 =	sshrl.u32 s26, $0x3;
	s19 =	sadd.s32 s25, s24;
	[dreg:$0xf] =	wrdreg s18  }
0x20: {  	s26 =	sshll.u32 s5, $0x4;
	s18 =	sadd.s32 s16, s21;
	[dreg:$0x13] =	wrdreg s19  }
0x21: {  	[dreg:$0x10] =	wrdreg s18;
	s18 =	sadd.s32 s16, s17;
	s16 =	sadd.s32 s25, s26  }
0x22: {  	s3 =	sadd.s32 s7, s22;
	s4 =	sadd.s32 s8, s22;
	[dreg:$0x12] =	wrdreg s16  }
0x23: {  	s7 =	sadd.s32 s9, s22;
	s8 =	sadd.s32 s10, s22;
	s16 =	rddreg [dreg:$0x1]  }
0x24: {  	s9 =	sadd.s32 s11, s22;
	_ =	strace $0x80000047;
	[dreg:$0x16] =	wrdreg s2  }
0x25: {  	s10 =	sadd.s32 s12, s22;
	s11 =	sadd.s32 s13, s22;
	[dreg:$0x17] =	wrdreg s3  }
0x26: {  	s12 =	sadd.s32 $0x190, s5;
	s21 =	smul.u32 $0x27100, s23;
	[dreg:$0x18] =	wrdreg s4  }
0x27: {  	s15 =	sadd.s32 s15, s25;
	s25 =	smul.u32 $0x4E000, s23;
	[dreg:$0x19] =	wrdreg s7  }
0x28: {  	s26 =	sshrl.u32 s31, $0x3;
	s31 =	sshrl.u32 s5, $0x3;
	[dreg:$0x1a] =	wrdreg s8  }
0x29: {  	s19 =	sadd.s32 s21, s15;
	s13 =	sadd.s32 $0x27000, s18;
	[dreg:$0x1b] =	wrdreg s9  }
0x2a: {  	s18 =	sadd.s32 $0xF0, s5;
	s21 =	sadd.s32 $0x140, s5;
	[dreg:$0x1c] =	wrdreg s10  }
0x2b: {  	s20 =	sadd.s32 s16, s31;
	s17 =	sadd.s32 s16, s26;
	[dreg:$0x1d] =	wrdreg s11  }
0x2c: {  	s15 =	sshrl.u32 s25, $0x2;
	s3 =	sadd.s32 s14, s22;
	[dreg:$0x1e] =	wrdreg s13  }
0x2d: {  	s4 =	sadd.s32 $0x138000, s22;
	s14 =	smax.u32 s6, $0x1;
	[smem:$0x7FB] =	sst s21  }
0x2e: {  	s11 =	simm.s32 $0x13880;
	s13 =	simm.s32 $0x16080;
	s21 =	simm.s32 $0x18880  }
0x2f: {  	s6 =	simm.s32 $0x2;
	s7 =	simm.s32 $0x1B080;
	[dreg:$0x14] =	wrdreg s20  }
0x30: {  	s8 =	simm.s32 $0x1DA00;
	s9 =	simm.s32 $0x3;
	[dreg:$0x15] =	wrdreg s17  }
0x31: {  	s10 =	simm.s32 $0x4;
	s26 =	sadd.s32 s15, s22;
	[dreg:$0x1f] =	wrdreg s14  }
0x32: {  	s15 =	sshrl.u32 s12, $0x3;
	s20 =	sadd.s32 $0xA0, s5;
	s22 =	sshrl.u32 s18, $0x3  }
.Ltmp0:
0x33: {  	s12 =	simm.s32 $0x1D880;
	s14 =	simm.s32 $0x1D900;
	(pc) =	sbr.rel .LBB2_1-.Ltmp0, $4  }
0x34: {  	s18 =	simm.s32 $0x5;
	s5 =	simm.s32 $0x1D980;
	s17 =	sadd.s32 s15, s16  }
0x35: {  	s24 =	sshrl.u32 s20, $0x3;
	s25 =	sadd.s32 s22, s16;
	[smem:$0x7FA] =	sst s17  }
0x36: {  	s15 =	simm.s32 $0x1DA80;
	[smem:$0x7FC] =	sst s25;
	s31 =	sadd.s32 s24, s16  }
0x37: {  	v0 =	vimm.f32 $0.0e+00;
	s20 =	simm.s32 $0x1;
	s22 =	simm.s32 $0x0;
	[smem:$0x7FD] =	sst s31  }
.LBB2_6:
0x38: {  	_ =	swait.ge [sflag:s20], $0x2800  }
0x39: {  	[sflag:s20] =	ssyncset.done $0x0  }
0x3a: {  	[sflag:s20] =	ssyncadd.s32 $0xFFFFD800  }
0x3b: {  	_ =	swait.ge [sflag:s20], $0x50  }
0x3c: {  	[sflag:s20] =	ssyncset.done $0x0  }
0x3d: {  	[sflag:s20] =	ssyncadd.s32 $0xFFFFFFB0  }
0x3e: {  	[bflag:$0x0] =	sbarrier.arrive $0xFFFF  }
0x3f: {  	[tilespmem:s15], [sflag:$0x5] =	stream.linear.gather [spmem:s31], $0x1800, $0x38;
	[tilespmem:$0x1F280] =	vst v63  }
0x40: {  	_ =	swait.ge [sflag:s18], $0x1800  }
0x41: {  	[sflag:s18] =	ssyncset.done $0x0  }
0x42: {  	s23 =	rddreg [dreg:$0x5];
	[sflag:s18] =	ssyncadd.s32 $0xFFFFE800  }
0x43: {  	[hbm4b:s23+s1] =	stream.linear.scatter [tilespmem:s15], [sflag:$0x5], $0x1800, $0x38;
	[tilespmem:$0x1F280] =	vst v63  }
0x44: {  	_ =	swait.ge [sflag:s18], $0x1800  }
0x45: {  	[sflag:s18] =	ssyncset.done $0x0  }
0x46: {  	[sflag:s18] =	ssyncadd.s32 $0xFFFFE800  }
0x47: {  	[tilespmem:s15], [sflag:$0x5] =	stream.linear.gather [spmem:s17], $0x1800, $0x38;
	[tilespmem:$0x1F280] =	vst v63  }
0x48: {  	_ =	swait.ge [sflag:s18], $0x1800  }
0x49: {  	[sflag:s18] =	ssyncset.done $0x0  }
0x4a: {  	s25 =	rddreg [dreg:$0x6];
	[sflag:s18] =	ssyncadd.s32 $0xFFFFE800  }
0x4b: {  	[hbm4b:s25+s1] =	stream.linear.scatter [tilespmem:s15], [sflag:$0x5], $0x1800, $0x38;
	[tilespmem:$0x1F280] =	vst v63  }
0x4c: {  	_ =	swait.ge [sflag:s18], $0x1800  }
0x4d: {  	[sflag:s18] =	ssyncset.done $0x0  }
0x4e: {  	[sflag:s18] =	ssyncadd.s32 $0xFFFFE800  }
0x4f: {  	[tilespmem:s15], [sflag:$0x5] =	stream.linear.gather [spmem:s0], $0x1800, $0x38;
	[tilespmem:$0x1F280] =	vst v63  }
0x50: {  	_ =	swait.ge [sflag:s18], $0x1800  }
0x51: {  	[sflag:s18] =	ssyncset.done $0x0  }
0x52: {  	s26 =	smov.u32 s31;
	s31 =	rddreg [dreg:$0x7];
	[sflag:s18] =	ssyncadd.s32 $0xFFFFE800  }
0x53: {  	[hbm4b:s31+s1] =	stream.linear.scatter [tilespmem:s15], [sflag:$0x5], $0x1800, $0x38;
	[tilespmem:$0x1F280] =	vst v63  }
0x54: {  	_ =	swait.ge [sflag:s18], $0x1800  }
0x55: {  	[sflag:s18] =	ssyncset.done $0x0  }
0x56: {  	[sflag:s18] =	ssyncadd.s32 $0xFFFFE800  }
0x57: {  	[tilespmem:s15], [sflag:$0x5] =	stream.linear.gather [spmem:s2], $0x1800, $0x38;
	[tilespmem:$0x1F280] =	vst v63  }
0x58: {  	_ =	swait.ge [sflag:s18], $0x1800  }
0x59: {  	[sflag:s18] =	ssyncset.done $0x0  }
0x5a: {  	s29 =	smov.u32 s0;
	s0 =	rddreg [dreg:$0x8];
	[sflag:s18] =	ssyncadd.s32 $0xFFFFE800  }
0x5b: {  	[hbm4b:s0+s1] =	stream.linear.scatter [tilespmem:s15], [sflag:$0x5], $0x1800, $0x38;
	[tilespmem:$0x1F280] =	vst v63  }
0x5c: {  	_ =	swait.ge [sflag:s18], $0x1800  }
0x5d: {  	[sflag:s18] =	ssyncset.done $0x0  }
0x5e: {  	s30 =	smov.u32 s2;
	s2 =	rddreg [dreg:$0x16];
	[sflag:s18] =	ssyncadd.s32 $0xFFFFE800  }
0x5f: {  	[tilespmem:s15], [sflag:$0x5] =	stream.linear.gather [spmem:s2], $0x1800, $0x38;
	[tilespmem:$0x1F280] =	vst v63  }
0x60: {  	_ =	swait.ge [sflag:s18], $0x1800  }
0x61: {  	[sflag:s18] =	ssyncset.done $0x0  }
0x62: {  	s28 =	smov.u32 s17;
	s17 =	rddreg [dreg:$0x9];
	[sflag:s18] =	ssyncadd.s32 $0xFFFFE800  }
0x63: {  	[hbm4b:s17+s1] =	stream.linear.scatter [tilespmem:s15], [sflag:$0x5], $0x1800, $0x38;
	[tilespmem:$0x1F280] =	vst v63  }
0x64: {  	_ =	swait.ge [sflag:s18], $0x1800  }
0x65: {  	[sflag:s18] =	ssyncset.done $0x0  }
0x66: {  	s24 =	rddreg [dreg:$0x17];
	[sflag:s18] =	ssyncadd.s32 $0xFFFFE800  }
0x67: {  	[tilespmem:s15], [sflag:$0x5] =	stream.linear.gather [spmem:s24], $0x1800, $0x38;
	[tilespmem:$0x1F280] =	vst v63  }
0x68: {  	_ =	swait.ge [sflag:s18], $0x1800  }
0x69: {  	[sflag:s18] =	ssyncset.done $0x0  }
0x6a: {  	s25 =	rddreg [dreg:$0xa];
	[sflag:s18] =	ssyncadd.s32 $0xFFFFE800  }
0x6b: {  	[hbm4b:s25+s1] =	stream.linear.scatter [tilespmem:s15], [sflag:$0x5], $0x1800, $0x38;
	[tilespmem:$0x1F280] =	vst v63  }
0x6c: {  	_ =	swait.ge [sflag:s18], $0x1800  }
0x6d: {  	[sflag:s18] =	ssyncset.done $0x0  }
0x6e: {  	s31 =	rddreg [dreg:$0x18];
	[sflag:s18] =	ssyncadd.s32 $0xFFFFE800  }
0x6f: {  	[tilespmem:s15], [sflag:$0x5] =	stream.linear.gather [spmem:s31], $0x1800, $0x38;
	[tilespmem:$0x1F280] =	vst v63  }
0x70: {  	_ =	swait.ge [sflag:s18], $0x1800  }
0x71: {  	[sflag:s18] =	ssyncset.done $0x0  }
0x72: {  	s0 =	rddreg [dreg:$0xb];
	[sflag:s18] =	ssyncadd.s32 $0xFFFFE800  }
0x73: {  	[hbm4b:s0+s1] =	stream.linear.scatter [tilespmem:s15], [sflag:$0x5], $0x1800, $0x38;
	[tilespmem:$0x1F280] =	vst v63  }
0x74: {  	_ =	swait.ge [sflag:s18], $0x1800  }
0x75: {  	[sflag:s18] =	ssyncset.done $0x0  }
0x76: {  	s2 =	rddreg [dreg:$0x19];
	[sflag:s18] =	ssyncadd.s32 $0xFFFFE800  }
0x77: {  	[tilespmem:s15], [sflag:$0x5] =	stream.linear.gather [spmem:s2], $0x1800, $0x38;
	[tilespmem:$0x1F280] =	vst v63  }
0x78: {  	_ =	swait.ge [sflag:s18], $0x1800  }
0x79: {  	[sflag:s18] =	ssyncset.done $0x0  }
0x7a: {  	s17 =	rddreg [dreg:$0xc];
	[sflag:s18] =	ssyncadd.s32 $0xFFFFE800  }
0x7b: {  	[hbm4b:s17+s1] =	stream.linear.scatter [tilespmem:s15], [sflag:$0x5], $0x1800, $0x38;
	[tilespmem:$0x1F280] =	vst v63  }
0x7c: {  	_ =	swait.ge [sflag:s18], $0x1800  }
0x7d: {  	[sflag:s18] =	ssyncset.done $0x0  }
0x7e: {  	s24 =	rddreg [dreg:$0x1a];
	[sflag:s18] =	ssyncadd.s32 $0xFFFFE800  }
0x7f: {  	[tilespmem:s15], [sflag:$0x5] =	stream.linear.gather [spmem:s24], $0x1800, $0x38;
	[tilespmem:$0x1F280] =	vst v63  }
0x80: {  	_ =	swait.ge [sflag:s18], $0x1800  }
0x81: {  	[sflag:s18] =	ssyncset.done $0x0  }
0x82: {  	s25 =	rddreg [dreg:$0xd];
	[sflag:s18] =	ssyncadd.s32 $0xFFFFE800  }
0x83: {  	[hbm4b:s25+s1] =	stream.linear.scatter [tilespmem:s15], [sflag:$0x5], $0x1800, $0x38;
	[tilespmem:$0x1F280] =	vst v63  }
0x84: {  	_ =	swait.ge [sflag:s18], $0x1800  }
0x85: {  	[sflag:s18] =	ssyncset.done $0x0  }
0x86: {  	s31 =	rddreg [dreg:$0x1b];
	[sflag:s18] =	ssyncadd.s32 $0xFFFFE800  }
0x87: {  	[tilespmem:s15], [sflag:$0x5] =	stream.linear.gather [spmem:s31], $0x1800, $0x38;
	[tilespmem:$0x1F280] =	vst v63  }
0x88: {  	_ =	swait.ge [sflag:s18], $0x1800  }
0x89: {  	[sflag:s18] =	ssyncset.done $0x0  }
0x8a: {  	s0 =	rddreg [dreg:$0xe];
	[sflag:s18] =	ssyncadd.s32 $0xFFFFE800  }
0x8b: {  	[hbm4b:s0+s1] =	stream.linear.scatter [tilespmem:s15], [sflag:$0x5], $0x1800, $0x38;
	[tilespmem:$0x1F280] =	vst v63  }
0x8c: {  	_ =	swait.ge [sflag:s18], $0x1800  }
0x8d: {  	[sflag:s18] =	ssyncset.done $0x0  }
0x8e: {  	s2 =	rddreg [dreg:$0x1c];
	[sflag:s18] =	ssyncadd.s32 $0xFFFFE800  }
0x8f: {  	[tilespmem:s15], [sflag:$0x5] =	stream.linear.gather [spmem:s2], $0x1800, $0x38;
	[tilespmem:$0x1F280] =	vst v63  }
0x90: {  	_ =	swait.ge [sflag:s18], $0x1800  }
0x91: {  	[sflag:s18] =	ssyncset.done $0x0  }
0x92: {  	s17 =	rddreg [dreg:$0xf];
	[sflag:s18] =	ssyncadd.s32 $0xFFFFE800  }
0x93: {  	[hbm4b:s17+s1] =	stream.linear.scatter [tilespmem:s15], [sflag:$0x5], $0x1800, $0x38;
	[tilespmem:$0x1F280] =	vst v63  }
0x94: {  	_ =	swait.ge [sflag:s18], $0x1800  }
0x95: {  	[sflag:s18] =	ssyncset.done $0x0  }
0x96: {  	s23 =	rddreg [dreg:$0x1d];
	[sflag:s18] =	ssyncadd.s32 $0xFFFFE800  }
0x97: {  	[tilespmem:s15], [sflag:$0x5] =	stream.linear.gather [spmem:s23], $0x1800, $0x38;
	[tilespmem:$0x1F280] =	vst v63  }
0x98: {  	_ =	swait.ge [sflag:s18], $0x1800  }
0x99: {  	[sflag:s18] =	ssyncset.done $0x0  }
0x9a: {  	s24 =	rddreg [dreg:$0x10];
	[sflag:s18] =	ssyncadd.s32 $0xFFFFE800  }
0x9b: {  	[hbm4b:s24+s1] =	stream.linear.scatter [tilespmem:s15], [sflag:$0x5], $0x1800, $0x38;
	[tilespmem:$0x1F280] =	vst v63  }
0x9c: {  	_ =	swait.ge [sflag:s18], $0x1800  }
0x9d: {  	[sflag:s18] =	ssyncset.done $0x0  }
0x9e: {  	[sflag:s18] =	ssyncadd.s32 $0xFFFFE800  }
0x9f: {  	[tilespmem:s15], [sflag:$0x5] =	stream.linear.gather [spmem:s3], $0x1800, $0x38;
	[tilespmem:$0x1F280] =	vst v63  }
0xa0: {  	_ =	swait.ge [sflag:s18], $0x1800  }
0xa1: {  	[sflag:s18] =	ssyncset.done $0x0  }
0xa2: {  	s25 =	rddreg [dreg:$0x11];
	[sflag:s18] =	ssyncadd.s32 $0xFFFFE800  }
0xa3: {  	[hbm4b:s25+s1] =	stream.linear.scatter [tilespmem:s15], [sflag:$0x5], $0x1800, $0x38;
	[tilespmem:$0x1F280] =	vst v63  }
0xa4: {  	_ =	swait.ge [sflag:s18], $0x1800  }
0xa5: {  	[sflag:s18] =	ssyncset.done $0x0  }
0xa6: {  	s23 =	simm.s32 @!p0 $0x1DA80;
	s24 =	simm.s32 @!p0 $0x5;
	[sflag:s18] =	ssyncadd.s32 $0xFFFFE800  }
0xa7: {  	[tilespmem:s23], [sflag:$0x5] =	stream.linear.gather @!p0 [spmem:s4], $0x800, $0x38;
	[tilespmem:$0x1F280] =	vst v63  }
0xa8: {  	_ =	swait.ge @!p0 [sflag:s24], $0x800  }
0xa9: {  	[sflag:s24] =	ssyncset.done @!p0 $0x0  }
0xaa: {  	s25 =	simm.s32 @!p0 $0x0;
	s0 =	rddreg [dreg:$0x1e];
	[sflag:s24] =	ssyncadd.s32 @!p0 $0xFFFFF800  }
0xab: {  	[hbm4b:s0+s25] =	stream.linear.scatter @!p0 [tilespmem:s23], [sflag:$0x5], $0x800, $0x38;
	[tilespmem:$0x1F280] =	vst v63  }
0xac: {  	_ =	swait.ge @!p0 [sflag:s24], $0x800  }
0xad: {  	s22 =	sadd.s32 $0x1, s22;
	s31 =	rddreg [dreg:$0x1f]  }
0xae: {  	p1 =	sne.s32 s22, s31  }
.Ltmp1:
0xaf: {  	_ = 	snop;
	(pc) =	sbr.rel @!p1 .LBB2_7-.Ltmp1, $3  }
0xb0: {  	_ =	sdelay $0x1  }
0xb1: {  	[sflag:s24] =	ssyncset.done @!p0 $0x0  }
0xb2: {  	[sflag:s24] =	ssyncadd.s32 @!p0 $0xFFFFF800  }
.LBB2_1:
0xb3: {  	s23 =	rddreg [dreg:$0x12]  }
0xb4: {  	[tilespmem:s11], [sflag:$0x1] =	stream.linear.gather [hbm4b:s23+s1], $0x2800, $0x38;
	[tilespmem:$0x1F280] =	vst v63  }
0xb5: {  	s24 =	rddreg [dreg:$0x14]  }
0xb6: {  	[tilespmem:s12], [sflag:$0x1] =	stream.linear.gather [hbm4b:s24+s1], $0x50, $0x38;
	[tilespmem:$0x1F280] =	vst v63  }
0xb7: {  	s25 =	rddreg [dreg:$0x13]  }
0xb8: {  	[tilespmem:s13], [sflag:$0x2] =	stream.linear.gather [hbm4b:s25+s1], $0x2800, $0x38;
	[tilespmem:$0x1F280] =	vst v63  }
0xb9: {  	s31 =	rddreg [dreg:$0x15];
	s23 =	simm.s32 $0x0;
	s24 =	simm.s32 $0x200  }
0xba: {  	[tilespmem:s14], [sflag:$0x2] =	stream.linear.gather [hbm4b:s31+s1], $0x50, $0x38;
	[tilespmem:$0x1F280] =	vst v63  }
.LBB2_2:
0xbb: {  	p1 =	sne.s32 s24, $0x5E00;
	[tilespmem:s23+$0x1DAF0] =	vst v0  }
0xbc: {  	[tilespmem:s23+$0x1DA80] =	vst v0  }
0xbd: {  	[tilespmem:s23+$0x1DA90] =	vst v0  }
.Ltmp2:
0xbe: {  	[tilespmem:s23+$0x1DAA0] =	vst v0;
	(pc) =	sbr.rel @p1 .LBB2_2-.Ltmp2, $4  }
0xbf: {  	[tilespmem:s23+$0x1DAB0] =	vst v0  }
0xc0: {  	[tilespmem:s23+$0x1DAC0] =	vst v0  }
0xc1: {  	[tilespmem:s23+$0x1DAD0] =	vst v0  }
0xc2: {  	[tilespmem:s23+$0x1DAE0] =	vst v0;
	s23 =	sshra.s32 s24, $0x2;
	s24 =	sadd.s32 $0x200, s24  }
0xc3: {  	[tilespmem:s23+$0x1DAF0] =	vst v0  }
0xc4: {  	[tilespmem:s23+$0x1DA80] =	vst v0  }
0xc5: {  	[tilespmem:s23+$0x1DA90] =	vst v0  }
0xc6: {  	[tilespmem:s23+$0x1DAA0] =	vst v0  }
0xc7: {  	[tilespmem:s23+$0x1DAB0] =	vst v0  }
0xc8: {  	[tilespmem:s23+$0x1DAC0] =	vst v0  }
0xc9: {  	[tilespmem:s23+$0x1DAD0] =	vst v0  }
0xca: {  	[tilespmem:s23+$0x1DAE0] =	vst v0  }
0xcb: {  	[spmem:s26] =	stream.linear.scatter [tilespmem:s15], [sflag:$0x5], $0x1800, $0x38;
	[tilespmem:$0x1F280] =	vst v63  }
0xcc: {  	_ =	swait.ge [sflag:s18], $0x1800  }
0xcd: {  	[sflag:s18] =	ssyncset.done $0x0  }
0xce: {  	[sflag:s18] =	ssyncadd.s32 $0xFFFFE800  }
0xcf: {  	[spmem:s28] =	stream.linear.scatter [tilespmem:s15], [sflag:$0x5], $0x1800, $0x38;
	[tilespmem:$0x1F280] =	vst v63  }
0xd0: {  	_ =	swait.ge [sflag:s18], $0x1800  }
0xd1: {  	[sflag:s18] =	ssyncset.done $0x0  }
0xd2: {  	[sflag:s18] =	ssyncadd.s32 $0xFFFFE800  }
0xd3: {  	[spmem:s29] =	stream.linear.scatter [tilespmem:s15], [sflag:$0x5], $0x1800, $0x38;
	[tilespmem:$0x1F280] =	vst v63  }
0xd4: {  	_ =	swait.ge [sflag:s18], $0x1800  }
0xd5: {  	[sflag:s18] =	ssyncset.done $0x0  }
0xd6: {  	[sflag:s18] =	ssyncadd.s32 $0xFFFFE800  }
0xd7: {  	[spmem:s30] =	stream.linear.scatter [tilespmem:s15], [sflag:$0x5], $0x1800, $0x38;
	[tilespmem:$0x1F280] =	vst v63  }
0xd8: {  	_ =	swait.ge [sflag:s18], $0x1800  }
0xd9: {  	[sflag:s18] =	ssyncset.done $0x0  }
0xda: {  	s31 =	smov.u32 s26;
	s26 =	rddreg [dreg:$0x16];
	[sflag:s18] =	ssyncadd.s32 $0xFFFFE800  }
0xdb: {  	[spmem:s26] =	stream.linear.scatter [tilespmem:s15], [sflag:$0x5], $0x1800, $0x38;
	[tilespmem:$0x1F280] =	vst v63  }
0xdc: {  	_ =	swait.ge [sflag:s18], $0x1800  }
0xdd: {  	[sflag:s18] =	ssyncset.done $0x0  }
0xde: {  	s0 =	smov.u32 s29;
	s29 =	rddreg [dreg:$0x17];
	[sflag:s18] =	ssyncadd.s32 $0xFFFFE800  }
0xdf: {  	[spmem:s29] =	stream.linear.scatter [tilespmem:s15], [sflag:$0x5], $0x1800, $0x38;
	[tilespmem:$0x1F280] =	vst v63  }
0xe0: {  	_ =	swait.ge [sflag:s18], $0x1800  }
0xe1: {  	[sflag:s18] =	ssyncset.done $0x0  }
0xe2: {  	s2 =	smov.u32 s30;
	s30 =	rddreg [dreg:$0x18];
	[sflag:s18] =	ssyncadd.s32 $0xFFFFE800  }
0xe3: {  	[spmem:s30] =	stream.linear.scatter [tilespmem:s15], [sflag:$0x5], $0x1800, $0x38;
	[tilespmem:$0x1F280] =	vst v63  }
0xe4: {  	_ =	swait.ge [sflag:s18], $0x1800  }
0xe5: {  	[sflag:s18] =	ssyncset.done $0x0  }
0xe6: {  	s24 =	rddreg [dreg:$0x19];
	[sflag:s18] =	ssyncadd.s32 $0xFFFFE800  }
0xe7: {  	[spmem:s24] =	stream.linear.scatter [tilespmem:s15], [sflag:$0x5], $0x1800, $0x38;
	[tilespmem:$0x1F280] =	vst v63  }
0xe8: {  	_ =	swait.ge [sflag:s18], $0x1800  }
0xe9: {  	[sflag:s18] =	ssyncset.done $0x0  }
0xea: {  	s25 =	rddreg [dreg:$0x1a];
	[sflag:s18] =	ssyncadd.s32 $0xFFFFE800  }
0xeb: {  	[spmem:s25] =	stream.linear.scatter [tilespmem:s15], [sflag:$0x5], $0x1800, $0x38;
	[tilespmem:$0x1F280] =	vst v63  }
0xec: {  	_ =	swait.ge [sflag:s18], $0x1800  }
0xed: {  	[sflag:s18] =	ssyncset.done $0x0  }
0xee: {  	s26 =	rddreg [dreg:$0x1b];
	[sflag:s18] =	ssyncadd.s32 $0xFFFFE800  }
0xef: {  	[spmem:s26] =	stream.linear.scatter [tilespmem:s15], [sflag:$0x5], $0x1800, $0x38;
	[tilespmem:$0x1F280] =	vst v63  }
0xf0: {  	_ =	swait.ge [sflag:s18], $0x1800  }
0xf1: {  	[sflag:s18] =	ssyncset.done $0x0  }
0xf2: {  	s29 =	rddreg [dreg:$0x1c];
	[sflag:s18] =	ssyncadd.s32 $0xFFFFE800  }
0xf3: {  	[spmem:s29] =	stream.linear.scatter [tilespmem:s15], [sflag:$0x5], $0x1800, $0x38;
	[tilespmem:$0x1F280] =	vst v63  }
0xf4: {  	_ =	swait.ge [sflag:s18], $0x1800  }
0xf5: {  	[sflag:s18] =	ssyncset.done $0x0  }
0xf6: {  	s30 =	rddreg [dreg:$0x1d];
	[sflag:s18] =	ssyncadd.s32 $0xFFFFE800  }
0xf7: {  	[spmem:s30] =	stream.linear.scatter [tilespmem:s15], [sflag:$0x5], $0x1800, $0x38;
	[tilespmem:$0x1F280] =	vst v63  }
0xf8: {  	_ =	swait.ge [sflag:s18], $0x1800  }
0xf9: {  	[sflag:s18] =	ssyncset.done $0x0  }
0xfa: {  	[sflag:s18] =	ssyncadd.s32 $0xFFFFE800  }
0xfb: {  	[spmem:s3] =	stream.linear.scatter [tilespmem:s15], [sflag:$0x5], $0x1800, $0x38;
	[tilespmem:$0x1F280] =	vst v63  }
0xfc: {  	_ =	swait.ge [sflag:s18], $0x1800  }
0xfd: {  	[sflag:s18] =	ssyncset.done $0x0  }
0xfe: {  	s23 =	simm.s32 @!p0 $0x1DA80;
	[sflag:s18] =	ssyncadd.s32 $0xFFFFE800  }
0xff: {  	[spmem:s4] =	stream.linear.scatter @!p0 [tilespmem:s23], [sflag:$0x5], $0x800, $0x38;
	[tilespmem:$0x1F280] =	vst v63  }
0x100: {  	s23 =	simm.s32 @!p0 $0x5  }
0x101: {  	_ =	swait.ge @!p0 [sflag:s23], $0x800  }
0x102: {  	[sflag:s23] =	ssyncset.done @!p0 $0x0  }
0x103: {  	[sflag:s23] =	ssyncadd.s32 @!p0 $0xFFFFF800  }
0x104: {  	[bflag:$0x0] =	sbarrier.arrive $0xFFFF  }
0x105: {  	s24 =	sld [smem:$0x7FD]  }
0x106: {  	s25 =	sld [smem:$0x7FC]  }
0x107: {  	s26 =	sld [smem:$0x7FB]  }
0x108: {  	s17 =	smov.u32 s28;
	s23 =	simm.s32 $0x0;
	s28 =	sld [smem:$0x7FA]  }
.LBB2_4:
0x109: {  	_ =	swait.ge [sflag:s20], $0x2800  }
0x10a: {  	[sflag:s20] =	ssyncset.done $0x0  }
0x10b: {  	[sflag:s20] =	ssyncadd.s32 $0xFFFFD800  }
0x10c: {  	_ =	swait.ge [sflag:s20], $0x50  }
0x10d: {  	s29 =	sadd.s32 s23, s19;
	[sflag:s20] =	ssyncset.done $0x0  }
0x10e: {  	s30 =	sadd.s32 $0xA00, s29;
	[sflag:s20] =	ssyncadd.s32 $0xFFFFFFB0  }
0x10f: {  	[tilespmem:s21], [sflag:$0x3] =	stream.linear.gather [hbm4b:s30+s1], $0x2800, $0x38;
	[tilespmem:$0x1F280] =	vst v63  }
0x110: {  	_ = 	snop  }
0x111: {  	[tilespmem:s5], [sflag:$0x3] =	stream.linear.gather [hbm4b:s24+s1], $0x50, $0x38;
	[tilespmem:$0x1F280] =	vst v63  }
0x112: {  	_ =	swait.ge [sflag:s6], $0x2800  }
0x113: {  	[sflag:s6] =	ssyncset.done $0x0  }
0x114: {  	[sflag:s6] =	ssyncadd.s32 $0xFFFFD800  }
0x115: {  	_ =	swait.ge [sflag:s6], $0x50  }
0x116: {  	[sflag:s6] =	ssyncset.done $0x0  }
0x117: {  	s30 =	sadd.s32 $0xF00, s29;
	[sflag:s6] =	ssyncadd.s32 $0xFFFFFFB0  }
0x118: {  	[tilespmem:s7], [sflag:$0x4] =	stream.linear.gather [hbm4b:s30+s1], $0x2800, $0x38;
	[tilespmem:$0x1F280] =	vst v63  }
0x119: {  	_ = 	snop  }
0x11a: {  	[tilespmem:s8], [sflag:$0x4] =	stream.linear.gather [hbm4b:s25+s1], $0x50, $0x38;
	[tilespmem:$0x1F280] =	vst v63  }
0x11b: {  	_ =	swait.ge [sflag:s9], $0x2800  }
0x11c: {  	[sflag:s9] =	ssyncset.done $0x0  }
0x11d: {  	[sflag:s9] =	ssyncadd.s32 $0xFFFFD800  }
0x11e: {  	_ =	swait.ge [sflag:s9], $0x50  }
0x11f: {  	[sflag:s9] =	ssyncset.done $0x0  }
0x120: {  	s30 =	sadd.s32 $0x1400, s29;
	[sflag:s9] =	ssyncadd.s32 $0xFFFFFFB0  }
0x121: {  	[tilespmem:s11], [sflag:$0x1] =	stream.linear.gather [hbm4b:s30+s1], $0x2800, $0x38;
	[tilespmem:$0x1F280] =	vst v63  }
0x122: {  	s30 =	sshrl.u32 s26, $0x3  }
0x123: {  	s30 =	sadd.s32 s16, s30  }
0x124: {  	[tilespmem:s12], [sflag:$0x1] =	stream.linear.gather [hbm4b:s30+s1], $0x50, $0x38;
	[tilespmem:$0x1F280] =	vst v63  }
0x125: {  	p1 =	seq.s32 s23, $0x25800;
	_ =	swait.ge [sflag:s10], $0x2800  }
.Ltmp3:
0x126: {  	[sflag:s10] =	ssyncset.done $0x0;
	(pc) =	sbr.rel @p1 .LBB2_6-.Ltmp3, $4  }
0x127: {  	[sflag:s10] =	ssyncadd.s32 $0xFFFFD800  }
0x128: {  	_ =	swait.ge [sflag:s10], $0x50  }
0x129: {  	[sflag:s10] =	ssyncset.done $0x0  }
0x12a: {  	[sflag:s10] =	ssyncadd.s32 $0xFFFFFFB0  }
.Ltmp4:
0x12b: {  	s29 =	sadd.s32 $0x1900, s29;
	(pc) =	sbr.rel .LBB2_4-.Ltmp4, $4  }
0x12c: {  	[tilespmem:s13], [sflag:$0x2] =	stream.linear.gather [hbm4b:s29+s1], $0x2800, $0x38;
	[tilespmem:$0x1F280] =	vst v63  }
0x12d: {  	s23 =	sadd.s32 $0x1400, s23;
	s26 =	sadd.s32 $0x140, s26  }
0x12e: {  	[tilespmem:s14], [sflag:$0x2] =	stream.linear.gather [hbm4b:s28+s1], $0x50, $0x38;
	[tilespmem:$0x1F280] =	vst v63  }
0x12f: {  	s25 =	sadd.s32 $0x28, s25;
	s24 =	sadd.s32 $0x28, s24;
	s28 =	sadd.s32 $0x28, s28  }
.LBB2_7:
0x130: {  	_ =	sfence.sel $0x180000  }
0x131: {  	[bflag:$0x0] =	sbarrier.arrive $0xFFFF  }
0x132: {  	_ =	strace $0x90000047  }
0x133: {  	s0 =	stileid.u32;
	[bflag:$0x2] =	sbarrier.arrive $0xFFFF  }
0x134: {  	p0 =	sne.s32 s0, $0x0;
	s0 =	rddreg [dreg:$0x4]  }
0x135: {  	s0 =	sadd.s32 @!p0 $0x100000, s0  }
0x136: {  	[sflag:s0] =	ssyncadd.tile.s32 @!p0 $0x1;
	_ =	shalt  }
.Lfunc_end2:
_tile_overlayer_lowered:
.L_overlay_start_2:
0x137: {  	(tag) =	ssettag $0x2  }
0x138: {  	s0 =	rddreg [dreg:$0x0];
	s2 =	stileid.u32  }
0x139: {  	s1 =	rddreg [dreg:$0x1];
	p0 =	sne.s32 s2, $0x0  }
0x13a: {  	s3 =	rddreg [dreg:$0x2];
	[bflag:$0x3] =	sbarrier.arrive $0xFFFF;
	s2 =	simm.s32 @!p0 $0x1C05  }
0x13b: {  	[timem:s3], [sflag:s2] =	dma.local @!p0 [hbm:s0], s1  }
0x13c: {  	s0 =	simm.s32 @!p0 $0x5  }
0x13d: {  	_ =	swait.ge @!p0 [sflag:s0], s1  }
0x13e: {  	s1 =	ssub.s32 @!p0 $0x0, s1;
	[sflag:s0] =	ssyncset.done @!p0 $0x0  }
0x13f: {  	[sflag:s0] =	ssyncadd.s32 @!p0 s1  }
0x140: {  	[bflag:$0x3] =	sbarrier.arrive $0xFFFF  }
0x141: {  	_ =	shalt  }

</sc_bundles>
